<compile_context>
chip_gen: v7x
topology: tpu7x:2x2x1
jax: 0.10.2.dev20260603
libtpu: 0.0.44.dev20260713+nightly
codegen_flags: <defaults>
</compile_context>

<pallas_src>
import functools

import jax
import jax.numpy as jnp
from jax import lax
from jax.experimental import pallas as pl
from jax.experimental.pallas import tpu as pltpu
from jax.experimental.pallas import tpu_sc as plsc

N = 10000
N_PAD = 10240
ACC_N = 10112
D = 128
E = 320000
NC, NS, L = 2, 16, 16
NW = NC * NS
EPW = E // NW
CHUNK = 128
NFULL = EPW // CHUNK
TAIL = EPW - NFULL * CHUNK
ER = E // CHUNK
AW = 24
ARW = 104
ATL = ER - AW * ARW
RPT = N_PAD // NS
RPA = ACC_N // NS

_mesh = plsc.VectorSubcoreMesh(core_axis_name="c", subcore_axis_name="s")


@functools.partial(
    pl.kernel,
    out_type=jax.ShapeDtypeStruct((NC, N_PAD), jnp.float32),
    mesh=_mesh,
    scratch_types=[
        pltpu.VMEM((ARW, CHUNK), jnp.int32),
        pltpu.VMEM((CHUNK,), jnp.int32),
        pltpu.VMEM((CHUNK,), jnp.float32),
        pltpu.VMEM((RPT,), jnp.float32),
        pltpu.SemaphoreType.DMA,
        pltpu.SemaphoreType.DMA,
        pltpu.VMEM_SHARED((N_PAD,), jnp.float32),
    ],
)
def _deg_call(dst3_hbm, dtail_hbm, out_hbm, didx2, tbuf, ones_v, zbuf,
              isem, asem, deg_sp):
    c = lax.axis_index("c")
    s = lax.axis_index("s")
    wid = s * NC + c

    zero16 = jnp.zeros((L,), jnp.float32)
    one16 = jnp.ones((L,), jnp.float32)
    for j in range(RPT // L):
        zbuf[pl.ds(j * L, L)] = zero16
    for j in range(CHUNK // L):
        ones_v[pl.ds(j * L, L)] = one16

    pltpu.sync_copy(zbuf, deg_sp.at[pl.ds(s * RPT, RPT)])

    @pl.when(wid < AW)
    def _():
        pltpu.sync_copy(dst3_hbm.at[pl.ds(wid * ARW, ARW)], didx2)

    plsc.subcore_barrier()

    @pl.when(wid < AW)
    def _():
        def body(g, _):
            base = g * 8
            for k in range(8):
                pltpu.async_copy(ones_v, deg_sp.at[didx2.at[base + k]], asem,
                                 add=True)
            for k in range(8):
                pltpu.make_async_copy(ones_v, deg_sp.at[didx2.at[0]],
                                      asem).wait()
            return ()

        lax.fori_loop(0, ARW // 8, body, ())

    @pl.when(wid == AW)
    def _():
        for k in range(ATL):
            pltpu.sync_copy(dtail_hbm.at[pl.ds(k * CHUNK, CHUNK)], tbuf)
            pltpu.sync_copy(ones_v, deg_sp.at[tbuf], add=True)

    plsc.subcore_barrier()
    pltpu.sync_copy(deg_sp.at[pl.ds(s * RPT, RPT)],
                    out_hbm.at[c, pl.ds(s * RPT, RPT)])


@functools.partial(
    pl.kernel,
    out_type=jax.ShapeDtypeStruct((NC, N_PAD, D), jnp.float32),
    mesh=_mesh,
    scratch_types=[
        pltpu.VMEM((CHUNK,), jnp.int32),
        pltpu.VMEM((CHUNK,), jnp.int32),
        pltpu.VMEM((CHUNK,), jnp.int32),
        pltpu.VMEM((CHUNK,), jnp.int32),
        pltpu.VMEM((CHUNK,), jnp.int32),
        pltpu.VMEM((CHUNK,), jnp.int32),
        pltpu.VMEM((TAIL,), jnp.int32),
        pltpu.VMEM((TAIL,), jnp.int32),
        pltpu.VMEM((CHUNK, D), jnp.float32),
        pltpu.VMEM((CHUNK, D), jnp.float32),
        pltpu.VMEM((CHUNK, D), jnp.float32),
        pltpu.SemaphoreType.DMA,
        pltpu.SemaphoreType.DMA,
        pltpu.SemaphoreType.DMA,
        pltpu.SemaphoreType.DMA,
        pltpu.SemaphoreType.DMA,
        pltpu.SemaphoreType.DMA,
        pltpu.VMEM_SHARED((ACC_N, D), jnp.float32),
    ],
)
def _msg_call(g_hbm, src1_hbm, dst1_hbm, out_hbm,
              sa, da, sb, db, sc_, dc_, st, dt, rows_a, rows_b, rows_c,
              isa, isb, isc, ga, gb, gc, acc_sp):
    c = lax.axis_index("c")
    s = lax.axis_index("s")
    wid = s * NC + c
    ebase = wid * EPW

    def load_idx(i, sbuf, dbuf, sem):
        off = pl.multiple_of(
            ebase + jnp.where(i >= NFULL, 0, i) * CHUNK, 16)
        pltpu.async_copy(src1_hbm.at[pl.ds(off, CHUNK)], sbuf, sem)
        pltpu.async_copy(dst1_hbm.at[pl.ds(off, CHUNK)], dbuf, sem)

    def wait_idx(sbuf, dbuf, sem):
        pltpu.make_async_copy(src1_hbm.at[pl.ds(0, CHUNK)], sbuf,
                              sem).wait()
        pltpu.make_async_copy(dst1_hbm.at[pl.ds(0, CHUNK)], dbuf,
                              sem).wait()

    zero16 = jnp.zeros((L,), jnp.float32)

    def zbody(t, _):
        r = t // (D // L)
        k = t % (D // L)
        rows_a[r, pl.ds(k * L, L)] = zero16
        return ()

    lax.fori_loop(0, CHUNK * (D // L), zbody, ())
    zoff = 0
    for zlen in [CHUNK] * (RPA // CHUNK) + [RPA % CHUNK]:
        pltpu.sync_copy(rows_a.at[pl.ds(0, zlen)],
                        acc_sp.at[pl.ds(s * RPA + zoff, zlen)])
        zoff += zlen
    plsc.subcore_barrier()

    load_idx(0, sa, da, isa)
    load_idx(1, sb, db, isb)
    load_idx(2, sc_, dc_, isc)
    wait_idx(sa, da, isa)
    pltpu.async_copy(g_hbm.at[sa], rows_a, ga)
    wait_idx(sb, db, isb)
    pltpu.async_copy(g_hbm.at[sb], rows_b, gb)

    bufs = [(sa, da, rows_a, isa, ga),
            (sb, db, rows_b, isb, gb),
            (sc_, dc_, rows_c, isc, gc)]

    def triple(q, _):
        t0 = 3 * q
        for k in range(3):
            si, di, ri, isi, gi = bufs[k]
            s2, d2, r2, is2, g2 = bufs[(k + 2) % 3]
            wait_idx(s2, d2, is2)
            pltpu.async_copy(g_hbm.at[s2], r2, g2)
            pltpu.make_async_copy(g_hbm.at[si], ri, gi).wait()
            pltpu.sync_copy(ri, acc_sp.at[di], add=True)
            load_idx(t0 + k + 3, si, di, isi)
        return ()

    lax.fori_loop(0, NFULL // 3, triple, ())
    pltpu.make_async_copy(g_hbm.at[sa], rows_a, ga).wait()
    pltpu.make_async_copy(g_hbm.at[sb], rows_b, gb).wait()
    wait_idx(sc_, dc_, isc)

    toff = pl.multiple_of(ebase + NFULL * CHUNK, 16)
    pltpu.sync_copy(src1_hbm.at[pl.ds(toff, TAIL)], st)
    pltpu.sync_copy(dst1_hbm.at[pl.ds(toff, TAIL)], dt)
    pltpu.async_copy(g_hbm.at[st], rows_a.at[pl.ds(0, TAIL)], ga).wait()
    pltpu.sync_copy(rows_a.at[pl.ds(0, TAIL)], acc_sp.at[dt], add=True)

    plsc.subcore_barrier()
    pltpu.sync_copy(acc_sp.at[pl.ds(s * RPA, RPA)],
                    out_hbm.at[c, pl.ds(s * RPA, RPA)])


BLK = 2048


def _mm_body(x_ref, w_ref, dp_ref, g_ref):
    dinv = lax.rsqrt(dp_ref[0] + dp_ref[1] + 1.0)
    h = jnp.dot(x_ref[...], w_ref[...], preferred_element_type=jnp.float32)
    g_ref[...] = h * dinv


def _mm_call(x, W, degp2):
    return pl.pallas_call(
        _mm_body,
        grid=(N_PAD // BLK,),
        in_specs=[
            pl.BlockSpec((BLK, D), lambda i: (i, 0)),
            pl.BlockSpec((D, D), lambda i: (0, 0)),
            pl.BlockSpec((NC, BLK, 1), lambda i: (0, i, 0)),
        ],
        out_specs=pl.BlockSpec((BLK, D), lambda i: (i, 0)),
        out_shape=jax.ShapeDtypeStruct((N_PAD, D), jnp.float32),
    )(x, W, degp2)


def _out_body(acc_ref, g_ref, dp_ref, b_ref, a_ref, o_ref):
    ssum = acc_ref[0] + acc_ref[1] + g_ref[...]
    dinv = lax.rsqrt(dp_ref[0] + dp_ref[1] + 1.0)
    y = ssum * dinv + b_ref[...]
    o_ref[...] = jnp.where(y >= 0, y, a_ref[0, 0] * y)


def _out_call(accp, g, degp2, b2, a2):
    return pl.pallas_call(
        _out_body,
        grid=(N_PAD // BLK,),
        in_specs=[
            pl.BlockSpec((NC, BLK, D), lambda i: (0, i, 0)),
            pl.BlockSpec((BLK, D), lambda i: (i, 0)),
            pl.BlockSpec((NC, BLK, 1), lambda i: (0, i, 0)),
            pl.BlockSpec((1, D), lambda i: (0, 0)),
            pl.BlockSpec((1, 1), lambda i: (0, 0)),
        ],
        out_specs=pl.BlockSpec((BLK, D), lambda i: (i, 0)),
        out_shape=jax.ShapeDtypeStruct((N, D), jnp.float32),
    )(accp, g, degp2, b2, a2)


def kernel(x, edge_index, W, b, a):
    eidx = edge_index.astype(jnp.int32)
    src1 = eidx[0]
    dst1 = eidx[1]
    dst3 = dst1.reshape(ER, CHUNK)
    dtail = dst1[AW * ARW * CHUNK:] + 0

    degp = _deg_call(dst3, dtail)
    degp2 = degp[:, :, None]
    g = _mm_call(x, W, degp2)
    accp = _msg_call(g, src1, dst1)
    return _out_call(accp, g, degp2,
                     b.reshape(1, D).astype(jnp.float32),
                     a.reshape(1, 1).astype(jnp.float32))

# --- scband reference (transcript-rebuilt; emitter-appended) ---
"""Pipeline reference for scband-planetoid-gcn1-27977416966231 (READ-ONLY COPY).

The authoritative reference and input builder live on the scoring server;
editing this copy changes nothing except your own understanding.
"""

import jax, jax.numpy as jnp
import numpy as np

N_NODES = 10000
N_EDGES = 320000
D_IN = 128
D_OUT = 128


def setup_inputs(seed: int = 0) -> dict:
    key = jax.random.key(seed)
    k1, k2, k3 = jax.random.split(key, 3)
    x = jax.random.normal(k1, (N_NODES, D_IN), dtype=jnp.float32)
    edge_index = jax.random.randint(k2, (2, N_EDGES), 0, N_NODES, dtype=jnp.int64)
    # GCNConv linear weight (glorot-style scale) and bias
    W = jax.random.normal(k3, (D_IN, D_OUT), dtype=jnp.float32) * (1.0 / np.sqrt(D_IN))
    b = jnp.zeros((D_OUT,), dtype=jnp.float32)
    # PReLU single learned slope, torch default init 0.25
    a = jnp.full((1,), 0.25, dtype=jnp.float32)
    return {"x": x, "edge_index": edge_index, "W": W, "b": b, "a": a}


def reference(x, edge_index, W, b, a):
    N = x.shape[0]
    # GCNConv with symmetric normalization and self-loops (PyG semantics)
    loop = jnp.arange(N, dtype=edge_index.dtype)
    src = jnp.concatenate([edge_index[0], loop])
    dst = jnp.concatenate([edge_index[1], loop])
    # linear transform first
    h = x @ W
    # degree computed on destination nodes (in-degree incl. self loops)
    ones = jnp.ones(src.shape[0], dtype=x.dtype)
    deg = jax.ops.segment_sum(ones, dst, num_segments=N)
    deg_inv_sqrt = jnp.where(deg > 0, jax.lax.rsqrt(jnp.maximum(deg, 1.0)), 0.0)
    norm = deg_inv_sqrt[src] * deg_inv_sqrt[dst]
    # gather messages, scale, scatter-add to destinations
    msg = h[src] * norm[:, None]
    out = jax.ops.segment_sum(msg, dst, num_segments=N)
    out = out + b
    # PReLU activation
    out = jnp.where(out >= 0, out, a * out)
    return out

if __name__ == "__main__":
    import jax
    _d = setup_inputs()
    print(jax.jit(kernel)(*tuple(_d.values())))

</pallas_src>

<mosaic_0001>
#map = affine_map<(d0, d1) -> (0, 0)>
#map1 = affine_map<(d0, d1) -> (0)>
#map2 = affine_map<(d0, d1) -> (0, 0, 0)>
module attributes {stable_mosaic.version = 14 : i64} {
  func.func @_msg_call(%arg0: i32, %arg1: i32, %arg2: memref<10240x128xf32, #tpu.memory_space<hbm>>, %arg3: memref<320000xi32, #tpu.memory_space<hbm>>, %arg4: memref<320000xi32, #tpu.memory_space<hbm>>, %arg5: memref<2x10240x128xf32, #tpu.memory_space<hbm>>, %arg6: memref<128xi32, #tpu.memory_space<vmem>>, %arg7: memref<128xi32, #tpu.memory_space<vmem>>, %arg8: memref<128xi32, #tpu.memory_space<vmem>>, %arg9: memref<128xi32, #tpu.memory_space<vmem>>, %arg10: memref<128xi32, #tpu.memory_space<vmem>>, %arg11: memref<128xi32, #tpu.memory_space<vmem>>, %arg12: memref<16xi32, #tpu.memory_space<vmem>>, %arg13: memref<16xi32, #tpu.memory_space<vmem>>, %arg14: memref<128x128xf32, #tpu.memory_space<vmem>>, %arg15: memref<128x128xf32, #tpu.memory_space<vmem>>, %arg16: memref<128x128xf32, #tpu.memory_space<vmem>>, %arg17: memref<!tpu.dma_semaphore, #tpu.memory_space<semaphore_mem>>, %arg18: memref<!tpu.dma_semaphore, #tpu.memory_space<semaphore_mem>>, %arg19: memref<!tpu.dma_semaphore, #tpu.memory_space<semaphore_mem>>, %arg20: memref<!tpu.dma_semaphore, #tpu.memory_space<semaphore_mem>>, %arg21: memref<!tpu.dma_semaphore, #tpu.memory_space<semaphore_mem>>, %arg22: memref<!tpu.dma_semaphore, #tpu.memory_space<semaphore_mem>>, %arg23: memref<10112x128xf32, #tpu.memory_space<vmem_shared>>) attributes {dimension_semantics = [#tpu.dimension_semantics<core_parallel>, #tpu.dimension_semantics<subcore_parallel>], iteration_bounds = array<i64: 2, 16>, scalar_prefetch = 0 : i64, scratch_operands = 18 : i64, tpu.core_type = #tpu.core_type<sc_vector_subcore>, window_params = [{transform_indices = #map}, {transform_indices = #map1}, {transform_indices = #map1}, {transform_indices = #map2}]} {
    %mul3A = arith.constant 2 : i32
    %mul3A_0 = arith.muli %arg1, %mul3A : i32
    %add3A = arith.addi %mul3A_0, %arg0 : i32
    %mul3A_1 = arith.constant 10000 : i32
    %mul3A_2 = arith.muli %add3A, %mul3A_1 : i32
    %broadcast_in_dim3A = arith.constant 0.000000e+00 : f32
    %broadcast_in_dim3A_3 = vector.broadcast %broadcast_in_dim3A : f32 to vector<16xf32>
    %scan3A = arith.constant 0 : i32
    %scan3A_4 = arith.constant 1024 : i32
    %scan3A_5 = arith.addi %scan3A, %scan3A_4 : i32
    %scan3A_6 = arith.constant 1 : i32
    scf.for %scan3A_120 = %scan3A to %scan3A_5 step %scan3A_6  : i32 {
      %jit3A_121 = arith.constant 8 : i32
      %div3A = arith.divsi %scan3A_120, %jit3A_121 : i32
      %sign3A = arith.constant 0 : i32
      %sign3A_122 = arith.cmpi sgt, %scan3A_120, %sign3A : i32
      %sign3A_123 = arith.extui %sign3A_122 : i1 to i32
      %sign3A_124 = arith.constant 0 : i32
      %sign3A_125 = arith.cmpi slt, %scan3A_120, %sign3A_124 : i32
      %sign3A_126 = arith.extui %sign3A_125 : i1 to i32
      %sign3A_127 = arith.subi %sign3A_123, %sign3A_126 : i32
      %sign3A_128 = arith.constant 0 : i32
      %sign3A_129 = arith.cmpi sgt, %jit3A_121, %sign3A_128 : i32
      %sign3A_130 = arith.extui %sign3A_129 : i1 to i32
      %sign3A_131 = arith.constant 0 : i32
      %sign3A_132 = arith.cmpi slt, %jit3A_121, %sign3A_131 : i32
      %sign3A_133 = arith.extui %sign3A_132 : i1 to i32
      %sign3A_134 = arith.subi %sign3A_130, %sign3A_133 : i32
      %ne3A = arith.cmpi ne, %sign3A_127, %sign3A_134 : i32
      %rem3A = arith.remsi %scan3A_120, %jit3A_121 : i32
      %ne3A_135 = arith.constant 0 : i32
      %ne3A_136 = arith.cmpi ne, %rem3A, %ne3A_135 : i32
      %and3A = arith.andi %ne3A, %ne3A_136 : i1
      %sub3A = arith.constant 1 : i32
      %sub3A_137 = arith.subi %div3A, %sub3A : i32
      %select_n3A_138 = arith.select %and3A, %sub3A_137, %div3A : i32
      %jit3A_139 = arith.constant 8 : i32
      %eq3A = arith.constant 0 : i32
      %eq3A_140 = arith.cmpi eq, %jit3A_139, %eq3A : i32
      %jit3A_141 = arith.constant 1 : i32
      %select_n3A_142 = arith.select %eq3A_140, %jit3A_141, %jit3A_139 : i32
      %rem3A_143 = arith.remsi %scan3A_120, %select_n3A_142 : i32
      %ne3A_144 = arith.constant 0 : i32
      %ne3A_145 = arith.cmpi ne, %rem3A_143, %ne3A_144 : i32
      %lt3A = arith.constant 0 : i32
      %lt3A_146 = arith.cmpi slt, %rem3A_143, %lt3A : i32
      %lt3A_147 = arith.constant 0 : i32
      %lt3A_148 = arith.cmpi slt, %select_n3A_142, %lt3A_147 : i32
      %ne3A_149 = arith.xori %lt3A_146, %lt3A_148 : i1
      %and3A_150 = arith.andi %ne3A_149, %ne3A_145 : i1
      %add3A_151 = arith.addi %rem3A_143, %select_n3A_142 : i32
      %select_n3A_152 = arith.select %and3A_150, %add3A_151, %rem3A_143 : i32
      %mul3A_153 = arith.constant 16 : i32
      %mul3A_154 = arith.muli %select_n3A_152, %mul3A_153 : i32
      %swap3A = arith.index_cast %select_n3A_138 : i32 to index
      %swap3A_155 = arith.index_cast %mul3A_154 : i32 to index
      %swap3A_156 = tpu.vector_load %arg14[%swap3A, %swap3A_155] {strides = array<i32>} : memref<128x128xf32, #tpu.memory_space<vmem>>, vector<1x16xf32>,
      %swap3A_157 = vector.shape_cast %swap3A_156 : vector<1x16xf32> to vector<16xf32>
      %swap3A_158 = vector.shape_cast %broadcast_in_dim3A_3 : vector<16xf32> to vector<1x16xf32>
      tpu.vector_store %arg14[%swap3A, %swap3A_155], %swap3A_158 {strides = array<i32>} : memref<128x128xf32, #tpu.memory_space<vmem>>, vector<1x16xf32>,
    }
    %scan3A_7 = arith.constant 1024 : i32
    %mul3A_8 = arith.constant 632 : i32
    %mul3A_9 = arith.muli %arg1, %mul3A_8 : i32
    %add3A_10 = arith.constant 0 : i32
    %add3A_11 = arith.addi %mul3A_9, %add3A_10 : i32
    "tpu.region"() ({
      %run_scoped3A = tpu.sem_alloc : memref<!tpu.dma_semaphore, #tpu.memory_space<semaphore_mem>>
      %dma_start3A_120 = arith.constant 0 : i32
      %dma_start3A_121 = arith.constant 0 : i32
      %dma_start3A_122 = tpu.memref_slice %arg14[%dma_start3A_120, %dma_start3A_121] : memref<128x128xf32, #tpu.memory_space<vmem>> -> memref<128x128xf32, #tpu.memory_space<vmem>>
      %dma_start3A_123 = arith.constant 0 : i32
      %dma_start3A_124 = tpu.memref_slice %arg23[%add3A_11, %dma_start3A_123] : memref<10112x128xf32, #tpu.memory_space<vmem_shared>> -> memref<128x128xf32, #tpu.memory_space<vmem_shared>>
      %dma_start3A_125 = arith.constant 0 : i32
      %dma_start3A_126 = tpu.memref_slice %arg23[%add3A_11, %dma_start3A_125] : memref<10112x128xf32, #tpu.memory_space<vmem_shared>> -> memref<128x128xf32, #tpu.memory_space<vmem_shared>>
      %dma_start3A_127 = arith.constant 0 : i32
      %dma_start3A_128 = arith.constant 0 : i32
      %dma_start3A_129 = tpu.memref_slice %arg14[%dma_start3A_127, %dma_start3A_128] : memref<128x128xf32, #tpu.memory_space<vmem>> -> memref<128x128xf32, #tpu.memory_space<vmem>>
      tpu.enqueue_dma source(%dma_start3A_129 : memref<128x128xf32, #tpu.memory_space<vmem>>) target(%dma_start3A_126 : memref<128x128xf32, #tpu.memory_space<vmem_shared>>) target_semaphore(%run_scoped3A : memref<!tpu.dma_semaphore, #tpu.memory_space<semaphore_mem>>)
      %dma_wait3A_130 = arith.constant 0 : i32
      %dma_wait3A_131 = arith.constant 0 : i32
      %dma_wait3A_132 = tpu.memref_slice %arg14[%dma_wait3A_130, %dma_wait3A_131] : memref<128x128xf32, #tpu.memory_space<vmem>> -> memref<128x128xf32, #tpu.memory_space<vmem>>
      %dma_wait3A_133 = arith.constant 0 : i32
      %dma_wait3A_134 = tpu.memref_slice %arg23[%add3A_11, %dma_wait3A_133] : memref<10112x128xf32, #tpu.memory_space<vmem_shared>> -> memref<128x128xf32, #tpu.memory_space<vmem_shared>>
      %dma_wait3A_135 = arith.constant 0 : i32
      %dma_wait3A_136 = tpu.memref_slice %arg23[%add3A_11, %dma_wait3A_135] : memref<10112x128xf32, #tpu.memory_space<vmem_shared>> -> memref<128x128xf32, #tpu.memory_space<vmem_shared>>
      %dma_wait3A_137 = arith.constant 0 : i32
      %dma_wait3A_138 = arith.constant 0 : i32
      %dma_wait3A_139 = tpu.memref_slice %arg14[%dma_wait3A_137, %dma_wait3A_138] : memref<128x128xf32, #tpu.memory_space<vmem>> -> memref<128x128xf32, #tpu.memory_space<vmem>>
      tpu.wait_dma2 semaphore(%run_scoped3A : memref<!tpu.dma_semaphore, #tpu.memory_space<semaphore_mem>>) src(%dma_wait3A_139 : memref<128x128xf32, #tpu.memory_space<vmem>>) dst(%dma_wait3A_136 : memref<128x128xf32, #tpu.memory_space<vmem_shared>>)
      tpu.yield
    }) : () -> ()
    %mul3A_12 = arith.constant 632 : i32
    %mul3A_13 = arith.muli %arg1, %mul3A_12 : i32
    %add3A_14 = arith.constant 128 : i32
    %add3A_15 = arith.addi %mul3A_13, %add3A_14 : i32
    "tpu.region"() ({
      %run_scoped3A = tpu.sem_alloc : memref<!tpu.dma_semaphore, #tpu.memory_space<semaphore_mem>>
      %dma_start3A_120 = arith.constant 0 : i32
      %dma_start3A_121 = arith.constant 0 : i32
      %dma_start3A_122 = tpu.memref_slice %arg14[%dma_start3A_120, %dma_start3A_121] : memref<128x128xf32, #tpu.memory_space<vmem>> -> memref<128x128xf32, #tpu.memory_space<vmem>>
      %dma_start3A_123 = arith.constant 0 : i32
      %dma_start3A_124 = tpu.memref_slice %arg23[%add3A_15, %dma_start3A_123] : memref<10112x128xf32, #tpu.memory_space<vmem_shared>> -> memref<128x128xf32, #tpu.memory_space<vmem_shared>>
      %dma_start3A_125 = arith.constant 0 : i32
      %dma_start3A_126 = tpu.memref_slice %arg23[%add3A_15, %dma_start3A_125] : memref<10112x128xf32, #tpu.memory_space<vmem_shared>> -> memref<128x128xf32, #tpu.memory_space<vmem_shared>>
      %dma_start3A_127 = arith.constant 0 : i32
      %dma_start3A_128 = arith.constant 0 : i32
      %dma_start3A_129 = tpu.memref_slice %arg14[%dma_start3A_127, %dma_start3A_128] : memref<128x128xf32, #tpu.memory_space<vmem>> -> memref<128x128xf32, #tpu.memory_space<vmem>>
      tpu.enqueue_dma source(%dma_start3A_129 : memref<128x128xf32, #tpu.memory_space<vmem>>) target(%dma_start3A_126 : memref<128x128xf32, #tpu.memory_space<vmem_shared>>) target_semaphore(%run_scoped3A : memref<!tpu.dma_semaphore, #tpu.memory_space<semaphore_mem>>)
      %dma_wait3A_130 = arith.constant 0 : i32
      %dma_wait3A_131 = arith.constant 0 : i32
      %dma_wait3A_132 = tpu.memref_slice %arg14[%dma_wait3A_130, %dma_wait3A_131] : memref<128x128xf32, #tpu.memory_space<vmem>> -> memref<128x128xf32, #tpu.memory_space<vmem>>
      %dma_wait3A_133 = arith.constant 0 : i32
      %dma_wait3A_134 = tpu.memref_slice %arg23[%add3A_15, %dma_wait3A_133] : memref<10112x128xf32, #tpu.memory_space<vmem_shared>> -> memref<128x128xf32, #tpu.memory_space<vmem_shared>>
      %dma_wait3A_135 = arith.constant 0 : i32
      %dma_wait3A_136 = tpu.memref_slice %arg23[%add3A_15, %dma_wait3A_135] : memref<10112x128xf32, #tpu.memory_space<vmem_shared>> -> memref<128x128xf32, #tpu.memory_space<vmem_shared>>
      %dma_wait3A_137 = arith.constant 0 : i32
      %dma_wait3A_138 = arith.constant 0 : i32
      %dma_wait3A_139 = tpu.memref_slice %arg14[%dma_wait3A_137, %dma_wait3A_138] : memref<128x128xf32, #tpu.memory_space<vmem>> -> memref<128x128xf32, #tpu.memory_space<vmem>>
      tpu.wait_dma2 semaphore(%run_scoped3A : memref<!tpu.dma_semaphore, #tpu.memory_space<semaphore_mem>>) src(%dma_wait3A_139 : memref<128x128xf32, #tpu.memory_space<vmem>>) dst(%dma_wait3A_136 : memref<128x128xf32, #tpu.memory_space<vmem_shared>>)
      tpu.yield
    }) : () -> ()
    %mul3A_16 = arith.constant 632 : i32
    %mul3A_17 = arith.muli %arg1, %mul3A_16 : i32
    %add3A_18 = arith.constant 256 : i32
    %add3A_19 = arith.addi %mul3A_17, %add3A_18 : i32
    "tpu.region"() ({
      %run_scoped3A = tpu.sem_alloc : memref<!tpu.dma_semaphore, #tpu.memory_space<semaphore_mem>>
      %dma_start3A_120 = arith.constant 0 : i32
      %dma_start3A_121 = arith.constant 0 : i32
      %dma_start3A_122 = tpu.memref_slice %arg14[%dma_start3A_120, %dma_start3A_121] : memref<128x128xf32, #tpu.memory_space<vmem>> -> memref<128x128xf32, #tpu.memory_space<vmem>>
      %dma_start3A_123 = arith.constant 0 : i32
      %dma_start3A_124 = tpu.memref_slice %arg23[%add3A_19, %dma_start3A_123] : memref<10112x128xf32, #tpu.memory_space<vmem_shared>> -> memref<128x128xf32, #tpu.memory_space<vmem_shared>>
      %dma_start3A_125 = arith.constant 0 : i32
      %dma_start3A_126 = tpu.memref_slice %arg23[%add3A_19, %dma_start3A_125] : memref<10112x128xf32, #tpu.memory_space<vmem_shared>> -> memref<128x128xf32, #tpu.memory_space<vmem_shared>>
      %dma_start3A_127 = arith.constant 0 : i32
      %dma_start3A_128 = arith.constant 0 : i32
      %dma_start3A_129 = tpu.memref_slice %arg14[%dma_start3A_127, %dma_start3A_128] : memref<128x128xf32, #tpu.memory_space<vmem>> -> memref<128x128xf32, #tpu.memory_space<vmem>>
      tpu.enqueue_dma source(%dma_start3A_129 : memref<128x128xf32, #tpu.memory_space<vmem>>) target(%dma_start3A_126 : memref<128x128xf32, #tpu.memory_space<vmem_shared>>) target_semaphore(%run_scoped3A : memref<!tpu.dma_semaphore, #tpu.memory_space<semaphore_mem>>)
      %dma_wait3A_130 = arith.constant 0 : i32
      %dma_wait3A_131 = arith.constant 0 : i32
      %dma_wait3A_132 = tpu.memref_slice %arg14[%dma_wait3A_130, %dma_wait3A_131] : memref<128x128xf32, #tpu.memory_space<vmem>> -> memref<128x128xf32, #tpu.memory_space<vmem>>
      %dma_wait3A_133 = arith.constant 0 : i32
      %dma_wait3A_134 = tpu.memref_slice %arg23[%add3A_19, %dma_wait3A_133] : memref<10112x128xf32, #tpu.memory_space<vmem_shared>> -> memref<128x128xf32, #tpu.memory_space<vmem_shared>>
      %dma_wait3A_135 = arith.constant 0 : i32
      %dma_wait3A_136 = tpu.memref_slice %arg23[%add3A_19, %dma_wait3A_135] : memref<10112x128xf32, #tpu.memory_space<vmem_shared>> -> memref<128x128xf32, #tpu.memory_space<vmem_shared>>
      %dma_wait3A_137 = arith.constant 0 : i32
      %dma_wait3A_138 = arith.constant 0 : i32
      %dma_wait3A_139 = tpu.memref_slice %arg14[%dma_wait3A_137, %dma_wait3A_138] : memref<128x128xf32, #tpu.memory_space<vmem>> -> memref<128x128xf32, #tpu.memory_space<vmem>>
      tpu.wait_dma2 semaphore(%run_scoped3A : memref<!tpu.dma_semaphore, #tpu.memory_space<semaphore_mem>>) src(%dma_wait3A_139 : memref<128x128xf32, #tpu.memory_space<vmem>>) dst(%dma_wait3A_136 : memref<128x128xf32, #tpu.memory_space<vmem_shared>>)
      tpu.yield
    }) : () -> ()
    %mul3A_20 = arith.constant 632 : i32
    %mul3A_21 = arith.muli %arg1, %mul3A_20 : i32
    %add3A_22 = arith.constant 384 : i32
    %add3A_23 = arith.addi %mul3A_21, %add3A_22 : i32
    "tpu.region"() ({
      %run_scoped3A = tpu.sem_alloc : memref<!tpu.dma_semaphore, #tpu.memory_space<semaphore_mem>>
      %dma_start3A_120 = arith.constant 0 : i32
      %dma_start3A_121 = arith.constant 0 : i32
      %dma_start3A_122 = tpu.memref_slice %arg14[%dma_start3A_120, %dma_start3A_121] : memref<128x128xf32, #tpu.memory_space<vmem>> -> memref<128x128xf32, #tpu.memory_space<vmem>>
      %dma_start3A_123 = arith.constant 0 : i32
      %dma_start3A_124 = tpu.memref_slice %arg23[%add3A_23, %dma_start3A_123] : memref<10112x128xf32, #tpu.memory_space<vmem_shared>> -> memref<128x128xf32, #tpu.memory_space<vmem_shared>>
      %dma_start3A_125 = arith.constant 0 : i32
      %dma_start3A_126 = tpu.memref_slice %arg23[%add3A_23, %dma_start3A_125] : memref<10112x128xf32, #tpu.memory_space<vmem_shared>> -> memref<128x128xf32, #tpu.memory_space<vmem_shared>>
      %dma_start3A_127 = arith.constant 0 : i32
      %dma_start3A_128 = arith.constant 0 : i32
      %dma_start3A_129 = tpu.memref_slice %arg14[%dma_start3A_127, %dma_start3A_128] : memref<128x128xf32, #tpu.memory_space<vmem>> -> memref<128x128xf32, #tpu.memory_space<vmem>>
      tpu.enqueue_dma source(%dma_start3A_129 : memref<128x128xf32, #tpu.memory_space<vmem>>) target(%dma_start3A_126 : memref<128x128xf32, #tpu.memory_space<vmem_shared>>) target_semaphore(%run_scoped3A : memref<!tpu.dma_semaphore, #tpu.memory_space<semaphore_mem>>)
      %dma_wait3A_130 = arith.constant 0 : i32
      %dma_wait3A_131 = arith.constant 0 : i32
      %dma_wait3A_132 = tpu.memref_slice %arg14[%dma_wait3A_130, %dma_wait3A_131] : memref<128x128xf32, #tpu.memory_space<vmem>> -> memref<128x128xf32, #tpu.memory_space<vmem>>
      %dma_wait3A_133 = arith.constant 0 : i32
      %dma_wait3A_134 = tpu.memref_slice %arg23[%add3A_23, %dma_wait3A_133] : memref<10112x128xf32, #tpu.memory_space<vmem_shared>> -> memref<128x128xf32, #tpu.memory_space<vmem_shared>>
      %dma_wait3A_135 = arith.constant 0 : i32
      %dma_wait3A_136 = tpu.memref_slice %arg23[%add3A_23, %dma_wait3A_135] : memref<10112x128xf32, #tpu.memory_space<vmem_shared>> -> memref<128x128xf32, #tpu.memory_space<vmem_shared>>
      %dma_wait3A_137 = arith.constant 0 : i32
      %dma_wait3A_138 = arith.constant 0 : i32
      %dma_wait3A_139 = tpu.memref_slice %arg14[%dma_wait3A_137, %dma_wait3A_138] : memref<128x128xf32, #tpu.memory_space<vmem>> -> memref<128x128xf32, #tpu.memory_space<vmem>>
      tpu.wait_dma2 semaphore(%run_scoped3A : memref<!tpu.dma_semaphore, #tpu.memory_space<semaphore_mem>>) src(%dma_wait3A_139 : memref<128x128xf32, #tpu.memory_space<vmem>>) dst(%dma_wait3A_136 : memref<128x128xf32, #tpu.memory_space<vmem_shared>>)
      tpu.yield
    }) : () -> ()
    %mul3A_24 = arith.constant 632 : i32
    %mul3A_25 = arith.muli %arg1, %mul3A_24 : i32
    %add3A_26 = arith.constant 512 : i32
    %add3A_27 = arith.addi %mul3A_25, %add3A_26 : i32
    "tpu.region"() ({
      %run_scoped3A = tpu.sem_alloc : memref<!tpu.dma_semaphore, #tpu.memory_space<semaphore_mem>>
      %dma_start3A_120 = arith.constant 0 : i32
      %dma_start3A_121 = arith.constant 0 : i32
      %dma_start3A_122 = tpu.memref_slice %arg14[%dma_start3A_120, %dma_start3A_121] : memref<128x128xf32, #tpu.memory_space<vmem>> -> memref<120x128xf32, #tpu.memory_space<vmem>>
      %dma_start3A_123 = arith.constant 0 : i32
      %dma_start3A_124 = tpu.memref_slice %arg23[%add3A_27, %dma_start3A_123] : memref<10112x128xf32, #tpu.memory_space<vmem_shared>> -> memref<120x128xf32, #tpu.memory_space<vmem_shared>>
      %dma_start3A_125 = arith.constant 0 : i32
      %dma_start3A_126 = tpu.memref_slice %arg23[%add3A_27, %dma_start3A_125] : memref<10112x128xf32, #tpu.memory_space<vmem_shared>> -> memref<120x128xf32, #tpu.memory_space<vmem_shared>>
      %dma_start3A_127 = arith.constant 0 : i32
      %dma_start3A_128 = arith.constant 0 : i32
      %dma_start3A_129 = tpu.memref_slice %arg14[%dma_start3A_127, %dma_start3A_128] : memref<128x128xf32, #tpu.memory_space<vmem>> -> memref<120x128xf32, #tpu.memory_space<vmem>>
      tpu.enqueue_dma source(%dma_start3A_129 : memref<120x128xf32, #tpu.memory_space<vmem>>) target(%dma_start3A_126 : memref<120x128xf32, #tpu.memory_space<vmem_shared>>) target_semaphore(%run_scoped3A : memref<!tpu.dma_semaphore, #tpu.memory_space<semaphore_mem>>)
      %dma_wait3A_130 = arith.constant 0 : i32
      %dma_wait3A_131 = arith.constant 0 : i32
      %dma_wait3A_132 = tpu.memref_slice %arg14[%dma_wait3A_130, %dma_wait3A_131] : memref<128x128xf32, #tpu.memory_space<vmem>> -> memref<120x128xf32, #tpu.memory_space<vmem>>
      %dma_wait3A_133 = arith.constant 0 : i32
      %dma_wait3A_134 = tpu.memref_slice %arg23[%add3A_27, %dma_wait3A_133] : memref<10112x128xf32, #tpu.memory_space<vmem_shared>> -> memref<120x128xf32, #tpu.memory_space<vmem_shared>>
      %dma_wait3A_135 = arith.constant 0 : i32
      %dma_wait3A_136 = tpu.memref_slice %arg23[%add3A_27, %dma_wait3A_135] : memref<10112x128xf32, #tpu.memory_space<vmem_shared>> -> memref<120x128xf32, #tpu.memory_space<vmem_shared>>
      %dma_wait3A_137 = arith.constant 0 : i32
      %dma_wait3A_138 = arith.constant 0 : i32
      %dma_wait3A_139 = tpu.memref_slice %arg14[%dma_wait3A_137, %dma_wait3A_138] : memref<128x128xf32, #tpu.memory_space<vmem>> -> memref<120x128xf32, #tpu.memory_space<vmem>>
      tpu.wait_dma2 semaphore(%run_scoped3A : memref<!tpu.dma_semaphore, #tpu.memory_space<semaphore_mem>>) src(%dma_wait3A_139 : memref<120x128xf32, #tpu.memory_space<vmem>>) dst(%dma_wait3A_136 : memref<120x128xf32, #tpu.memory_space<vmem_shared>>)
      tpu.yield
    }) : () -> ()
    %barrier3A = arith.constant 0 : index
    tpu.barrier barrier_id(%barrier3A)
    %jit3A = arith.constant false
    %jit3A_28 = arith.constant 0 : i32
    %jit3A_29 = arith.constant 0 : i32
    %select_n3A = arith.select %jit3A, %jit3A_28, %jit3A_29 : i32
    %mul3A_30 = arith.constant 128 : i32
    %mul3A_31 = arith.muli %select_n3A, %mul3A_30 : i32
    %add3A_32 = arith.addi %mul3A_2, %mul3A_31 : i32
    %multiple_of3A = tpu.assume_multiple %add3A_32, 16 : i32
    %dma_start3A = tpu.memref_slice %arg3[%multiple_of3A] : memref<320000xi32, #tpu.memory_space<hbm>> -> memref<128xi32, #tpu.memory_space<hbm>>
    %dma_start3A_33 = tpu.memref_slice %arg3[%multiple_of3A] : memref<320000xi32, #tpu.memory_space<hbm>> -> memref<128xi32, #tpu.memory_space<hbm>>
    tpu.enqueue_dma source(%dma_start3A_33 : memref<128xi32, #tpu.memory_space<hbm>>) target(%arg6 : memref<128xi32, #tpu.memory_space<vmem>>) target_semaphore(%arg17 : memref<!tpu.dma_semaphore, #tpu.memory_space<semaphore_mem>>)
    %dma_start3A_34 = tpu.memref_slice %arg4[%multiple_of3A] : memref<320000xi32, #tpu.memory_space<hbm>> -> memref<128xi32, #tpu.memory_space<hbm>>
    %dma_start3A_35 = tpu.memref_slice %arg4[%multiple_of3A] : memref<320000xi32, #tpu.memory_space<hbm>> -> memref<128xi32, #tpu.memory_space<hbm>>
    tpu.enqueue_dma source(%dma_start3A_35 : memref<128xi32, #tpu.memory_space<hbm>>) target(%arg7 : memref<128xi32, #tpu.memory_space<vmem>>) target_semaphore(%arg17 : memref<!tpu.dma_semaphore, #tpu.memory_space<semaphore_mem>>)
    %jit3A_36 = arith.constant false
    %jit3A_37 = arith.constant 0 : i32
    %jit3A_38 = arith.constant 1 : i32
    %select_n3A_39 = arith.select %jit3A_36, %jit3A_37, %jit3A_38 : i32
    %mul3A_40 = arith.constant 128 : i32
    %mul3A_41 = arith.muli %select_n3A_39, %mul3A_40 : i32
    %add3A_42 = arith.addi %mul3A_2, %mul3A_41 : i32
    %multiple_of3A_43 = tpu.assume_multiple %add3A_42, 16 : i32
    %dma_start3A_44 = tpu.memref_slice %arg3[%multiple_of3A_43] : memref<320000xi32, #tpu.memory_space<hbm>> -> memref<128xi32, #tpu.memory_space<hbm>>
    %dma_start3A_45 = tpu.memref_slice %arg3[%multiple_of3A_43] : memref<320000xi32, #tpu.memory_space<hbm>> -> memref<128xi32, #tpu.memory_space<hbm>>
    tpu.enqueue_dma source(%dma_start3A_45 : memref<128xi32, #tpu.memory_space<hbm>>) target(%arg8 : memref<128xi32, #tpu.memory_space<vmem>>) target_semaphore(%arg18 : memref<!tpu.dma_semaphore, #tpu.memory_space<semaphore_mem>>)
    %dma_start3A_46 = tpu.memref_slice %arg4[%multiple_of3A_43] : memref<320000xi32, #tpu.memory_space<hbm>> -> memref<128xi32, #tpu.memory_space<hbm>>
    %dma_start3A_47 = tpu.memref_slice %arg4[%multiple_of3A_43] : memref<320000xi32, #tpu.memory_space<hbm>> -> memref<128xi32, #tpu.memory_space<hbm>>
    tpu.enqueue_dma source(%dma_start3A_47 : memref<128xi32, #tpu.memory_space<hbm>>) target(%arg9 : memref<128xi32, #tpu.memory_space<vmem>>) target_semaphore(%arg18 : memref<!tpu.dma_semaphore, #tpu.memory_space<semaphore_mem>>)
    %jit3A_48 = arith.constant false
    %jit3A_49 = arith.constant 0 : i32
    %jit3A_50 = arith.constant 2 : i32
    %select_n3A_51 = arith.select %jit3A_48, %jit3A_49, %jit3A_50 : i32
    %mul3A_52 = arith.constant 128 : i32
    %mul3A_53 = arith.muli %select_n3A_51, %mul3A_52 : i32
    %add3A_54 = arith.addi %mul3A_2, %mul3A_53 : i32
    %multiple_of3A_55 = tpu.assume_multiple %add3A_54, 16 : i32
    %dma_start3A_56 = tpu.memref_slice %arg3[%multiple_of3A_55] : memref<320000xi32, #tpu.memory_space<hbm>> -> memref<128xi32, #tpu.memory_space<hbm>>
    %dma_start3A_57 = tpu.memref_slice %arg3[%multiple_of3A_55] : memref<320000xi32, #tpu.memory_space<hbm>> -> memref<128xi32, #tpu.memory_space<hbm>>
    tpu.enqueue_dma source(%dma_start3A_57 : memref<128xi32, #tpu.memory_space<hbm>>) target(%arg10 : memref<128xi32, #tpu.memory_space<vmem>>) target_semaphore(%arg19 : memref<!tpu.dma_semaphore, #tpu.memory_space<semaphore_mem>>)
    %dma_start3A_58 = tpu.memref_slice %arg4[%multiple_of3A_55] : memref<320000xi32, #tpu.memory_space<hbm>> -> memref<128xi32, #tpu.memory_space<hbm>>
    %dma_start3A_59 = tpu.memref_slice %arg4[%multiple_of3A_55] : memref<320000xi32, #tpu.memory_space<hbm>> -> memref<128xi32, #tpu.memory_space<hbm>>
    tpu.enqueue_dma source(%dma_start3A_59 : memref<128xi32, #tpu.memory_space<hbm>>) target(%arg11 : memref<128xi32, #tpu.memory_space<vmem>>) target_semaphore(%arg19 : memref<!tpu.dma_semaphore, #tpu.memory_space<semaphore_mem>>)
    %dma_wait3A = arith.constant 0 : i32
    %dma_wait3A_60 = tpu.memref_slice %arg3[%dma_wait3A] : memref<320000xi32, #tpu.memory_space<hbm>> -> memref<128xi32, #tpu.memory_space<hbm>>
    %dma_wait3A_61 = arith.constant 0 : i32
    %dma_wait3A_62 = tpu.memref_slice %arg3[%dma_wait3A_61] : memref<320000xi32, #tpu.memory_space<hbm>> -> memref<128xi32, #tpu.memory_space<hbm>>
    tpu.wait_dma2 semaphore(%arg17 : memref<!tpu.dma_semaphore, #tpu.memory_space<semaphore_mem>>) src(%dma_wait3A_62 : memref<128xi32, #tpu.memory_space<hbm>>) dst(%arg6 : memref<128xi32, #tpu.memory_space<vmem>>)
    %dma_wait3A_63 = arith.constant 0 : i32
    %dma_wait3A_64 = tpu.memref_slice %arg4[%dma_wait3A_63] : memref<320000xi32, #tpu.memory_space<hbm>> -> memref<128xi32, #tpu.memory_space<hbm>>
    %dma_wait3A_65 = arith.constant 0 : i32
    %dma_wait3A_66 = tpu.memref_slice %arg4[%dma_wait3A_65] : memref<320000xi32, #tpu.memory_space<hbm>> -> memref<128xi32, #tpu.memory_space<hbm>>
    tpu.wait_dma2 semaphore(%arg17 : memref<!tpu.dma_semaphore, #tpu.memory_space<semaphore_mem>>) src(%dma_wait3A_66 : memref<128xi32, #tpu.memory_space<hbm>>) dst(%arg7 : memref<128xi32, #tpu.memory_space<vmem>>)
    %dma_start3A_67 = arith.constant 0 : i32
    %dma_start3A_68 = arith.constant 0 : i32
    %dma_start3A_69 = tpu.memref_slice %arg2[%dma_start3A_67, %dma_start3A_68] : memref<10240x128xf32, #tpu.memory_space<hbm>> -> memref<10240x128xf32, #tpu.memory_space<hbm>>
    tpu.enqueue_indirect_dma source(%dma_start3A_69 : memref<10240x128xf32, #tpu.memory_space<hbm>>) target(%arg14 : memref<128x128xf32, #tpu.memory_space<vmem>>) offsets(%arg6 : memref<128xi32, #tpu.memory_space<vmem>>) semaphore(%arg20 : memref<!tpu.dma_semaphore, #tpu.memory_space<semaphore_mem>>)
    %dma_wait3A_70 = arith.constant 0 : i32
    %dma_wait3A_71 = tpu.memref_slice %arg3[%dma_wait3A_70] : memref<320000xi32, #tpu.memory_space<hbm>> -> memref<128xi32, #tpu.memory_space<hbm>>
    %dma_wait3A_72 = arith.constant 0 : i32
    %dma_wait3A_73 = tpu.memref_slice %arg3[%dma_wait3A_72] : memref<320000xi32, #tpu.memory_space<hbm>> -> memref<128xi32, #tpu.memory_space<hbm>>
    tpu.wait_dma2 semaphore(%arg18 : memref<!tpu.dma_semaphore, #tpu.memory_space<semaphore_mem>>) src(%dma_wait3A_73 : memref<128xi32, #tpu.memory_space<hbm>>) dst(%arg8 : memref<128xi32, #tpu.memory_space<vmem>>)
    %dma_wait3A_74 = arith.constant 0 : i32
    %dma_wait3A_75 = tpu.memref_slice %arg4[%dma_wait3A_74] : memref<320000xi32, #tpu.memory_space<hbm>> -> memref<128xi32, #tpu.memory_space<hbm>>
    %dma_wait3A_76 = arith.constant 0 : i32
    %dma_wait3A_77 = tpu.memref_slice %arg4[%dma_wait3A_76] : memref<320000xi32, #tpu.memory_space<hbm>> -> memref<128xi32, #tpu.memory_space<hbm>>
    tpu.wait_dma2 semaphore(%arg18 : memref<!tpu.dma_semaphore, #tpu.memory_space<semaphore_mem>>) src(%dma_wait3A_77 : memref<128xi32, #tpu.memory_space<hbm>>) dst(%arg9 : memref<128xi32, #tpu.memory_space<vmem>>)
    %dma_start3A_78 = arith.constant 0 : i32
    %dma_start3A_79 = arith.constant 0 : i32
    %dma_start3A_80 = tpu.memref_slice %arg2[%dma_start3A_78, %dma_start3A_79] : memref<10240x128xf32, #tpu.memory_space<hbm>> -> memref<10240x128xf32, #tpu.memory_space<hbm>>
    tpu.enqueue_indirect_dma source(%dma_start3A_80 : memref<10240x128xf32, #tpu.memory_space<hbm>>) target(%arg15 : memref<128x128xf32, #tpu.memory_space<vmem>>) offsets(%arg8 : memref<128xi32, #tpu.memory_space<vmem>>) semaphore(%arg21 : memref<!tpu.dma_semaphore, #tpu.memory_space<semaphore_mem>>)
    %scan3A_81 = arith.constant 0 : i32
    %scan3A_82 = arith.constant 26 : i32
    %scan3A_83 = arith.addi %scan3A_81, %scan3A_82 : i32
    %scan3A_84 = arith.constant 1 : i32
    scf.for %scan3A_120 = %scan3A_81 to %scan3A_83 step %scan3A_84  : i32 {
      %mul3A_121 = arith.constant 3 : i32
      %mul3A_122 = arith.muli %mul3A_121, %scan3A_120 : i32
      %dma_wait3A_123 = arith.constant 0 : i32
      %dma_wait3A_124 = tpu.memref_slice %arg3[%dma_wait3A_123] : memref<320000xi32, #tpu.memory_space<hbm>> -> memref<128xi32, #tpu.memory_space<hbm>>
      %dma_wait3A_125 = arith.constant 0 : i32
      %dma_wait3A_126 = tpu.memref_slice %arg3[%dma_wait3A_125] : memref<320000xi32, #tpu.memory_space<hbm>> -> memref<128xi32, #tpu.memory_space<hbm>>
      tpu.wait_dma2 semaphore(%arg19 : memref<!tpu.dma_semaphore, #tpu.memory_space<semaphore_mem>>) src(%dma_wait3A_126 : memref<128xi32, #tpu.memory_space<hbm>>) dst(%arg10 : memref<128xi32, #tpu.memory_space<vmem>>)
      %dma_wait3A_127 = arith.constant 0 : i32
      %dma_wait3A_128 = tpu.memref_slice %arg4[%dma_wait3A_127] : memref<320000xi32, #tpu.memory_space<hbm>> -> memref<128xi32, #tpu.memory_space<hbm>>
      %dma_wait3A_129 = arith.constant 0 : i32
      %dma_wait3A_130 = tpu.memref_slice %arg4[%dma_wait3A_129] : memref<320000xi32, #tpu.memory_space<hbm>> -> memref<128xi32, #tpu.memory_space<hbm>>
      tpu.wait_dma2 semaphore(%arg19 : memref<!tpu.dma_semaphore, #tpu.memory_space<semaphore_mem>>) src(%dma_wait3A_130 : memref<128xi32, #tpu.memory_space<hbm>>) dst(%arg11 : memref<128xi32, #tpu.memory_space<vmem>>)
      %dma_start3A_131 = arith.constant 0 : i32
      %dma_start3A_132 = arith.constant 0 : i32
      %dma_start3A_133 = tpu.memref_slice %arg2[%dma_start3A_131, %dma_start3A_132] : memref<10240x128xf32, #tpu.memory_space<hbm>> -> memref<10240x128xf32, #tpu.memory_space<hbm>>
      tpu.enqueue_indirect_dma source(%dma_start3A_133 : memref<10240x128xf32, #tpu.memory_space<hbm>>) target(%arg16 : memref<128x128xf32, #tpu.memory_space<vmem>>) offsets(%arg10 : memref<128xi32, #tpu.memory_space<vmem>>) semaphore(%arg22 : memref<!tpu.dma_semaphore, #tpu.memory_space<semaphore_mem>>)
      %dma_wait3A_134 = arith.constant 0 : i32
      %dma_wait3A_135 = arith.constant 0 : i32
      %dma_wait3A_136 = tpu.memref_slice %arg2[%dma_wait3A_134, %dma_wait3A_135] : memref<10240x128xf32, #tpu.memory_space<hbm>> -> memref<10240x128xf32, #tpu.memory_space<hbm>>
      tpu.wait_indirect_dma semaphore(%arg20 : memref<!tpu.dma_semaphore, #tpu.memory_space<semaphore_mem>>) src(%dma_wait3A_136 : memref<10240x128xf32, #tpu.memory_space<hbm>>) dst(%arg14 : memref<128x128xf32, #tpu.memory_space<vmem>>)
      "tpu.region"() ({
        %run_scoped3A = tpu.sem_alloc : memref<!tpu.dma_semaphore, #tpu.memory_space<semaphore_mem>>
        %dma_start3A_212 = arith.constant 0 : i32
        %dma_start3A_213 = arith.constant 0 : i32
        %dma_start3A_214 = tpu.memref_slice %arg23[%dma_start3A_212, %dma_start3A_213] : memref<10112x128xf32, #tpu.memory_space<vmem_shared>> -> memref<10112x128xf32, #tpu.memory_space<vmem_shared>>
        tpu.enqueue_indirect_dma source(%arg14 : memref<128x128xf32, #tpu.memory_space<vmem>>) target(%dma_start3A_214 : memref<10112x128xf32, #tpu.memory_space<vmem_shared>>) offsets(%arg7 : memref<128xi32, #tpu.memory_space<vmem>>) semaphore(%run_scoped3A : memref<!tpu.dma_semaphore, #tpu.memory_space<semaphore_mem>>) {add = true}
        %dma_wait3A_215 = arith.constant 0 : i32
        %dma_wait3A_216 = arith.constant 0 : i32
        %dma_wait3A_217 = tpu.memref_slice %arg23[%dma_wait3A_215, %dma_wait3A_216] : memref<10112x128xf32, #tpu.memory_space<vmem_shared>> -> memref<10112x128xf32, #tpu.memory_space<vmem_shared>>
        tpu.wait_indirect_dma semaphore(%run_scoped3A : memref<!tpu.dma_semaphore, #tpu.memory_space<semaphore_mem>>) src(%arg14 : memref<128x128xf32, #tpu.memory_space<vmem>>) dst(%dma_wait3A_217 : memref<10112x128xf32, #tpu.memory_space<vmem_shared>>)
        tpu.yield
      }) : () -> ()
      %add3A_137 = arith.constant 0 : i32
      %add3A_138 = arith.addi %mul3A_122, %add3A_137 : i32
      %add3A_139 = arith.constant 3 : i32
      %add3A_140 = arith.addi %add3A_138, %add3A_139 : i32
      %ge3A = arith.constant 78 : i32
      %ge3A_141 = arith.cmpi sge, %add3A_140, %ge3A : i32
      %jit3A_142 = arith.constant 0 : i32
      %select_n3A_143 = arith.select %ge3A_141, %jit3A_142, %add3A_140 : i32
      %mul3A_144 = arith.constant 128 : i32
      %mul3A_145 = arith.muli %select_n3A_143, %mul3A_144 : i32
      %add3A_146 = arith.addi %mul3A_2, %mul3A_145 : i32
      %multiple_of3A_147 = tpu.assume_multiple %add3A_146, 16 : i32
      %dma_start3A_148 = tpu.memref_slice %arg3[%multiple_of3A_147] : memref<320000xi32, #tpu.memory_space<hbm>> -> memref<128xi32, #tpu.memory_space<hbm>>
      %dma_start3A_149 = tpu.memref_slice %arg3[%multiple_of3A_147] : memref<320000xi32, #tpu.memory_space<hbm>> -> memref<128xi32, #tpu.memory_space<hbm>>
      tpu.enqueue_dma source(%dma_start3A_149 : memref<128xi32, #tpu.memory_space<hbm>>) target(%arg6 : memref<128xi32, #tpu.memory_space<vmem>>) target_semaphore(%arg17 : memref<!tpu.dma_semaphore, #tpu.memory_space<semaphore_mem>>)
      %dma_start3A_150 = tpu.memref_slice %arg4[%multiple_of3A_147] : memref<320000xi32, #tpu.memory_space<hbm>> -> memref<128xi32, #tpu.memory_space<hbm>>
      %dma_start3A_151 = tpu.memref_slice %arg4[%multiple_of3A_147] : memref<320000xi32, #tpu.memory_space<hbm>> -> memref<128xi32, #tpu.memory_space<hbm>>
      tpu.enqueue_dma source(%dma_start3A_151 : memref<128xi32, #tpu.memory_space<hbm>>) target(%arg7 : memref<128xi32, #tpu.memory_space<vmem>>) target_semaphore(%arg17 : memref<!tpu.dma_semaphore, #tpu.memory_space<semaphore_mem>>)
      %dma_wait3A_152 = arith.constant 0 : i32
      %dma_wait3A_153 = tpu.memref_slice %arg3[%dma_wait3A_152] : memref<320000xi32, #tpu.memory_space<hbm>> -> memref<128xi32, #tpu.memory_space<hbm>>
      %dma_wait3A_154 = arith.constant 0 : i32
      %dma_wait3A_155 = tpu.memref_slice %arg3[%dma_wait3A_154] : memref<320000xi32, #tpu.memory_space<hbm>> -> memref<128xi32, #tpu.memory_space<hbm>>
      tpu.wait_dma2 semaphore(%arg17 : memref<!tpu.dma_semaphore, #tpu.memory_space<semaphore_mem>>) src(%dma_wait3A_155 : memref<128xi32, #tpu.memory_space<hbm>>) dst(%arg6 : memref<128xi32, #tpu.memory_space<vmem>>)
      %dma_wait3A_156 = arith.constant 0 : i32
      %dma_wait3A_157 = tpu.memref_slice %arg4[%dma_wait3A_156] : memref<320000xi32, #tpu.memory_space<hbm>> -> memref<128xi32, #tpu.memory_space<hbm>>
      %dma_wait3A_158 = arith.constant 0 : i32
      %dma_wait3A_159 = tpu.memref_slice %arg4[%dma_wait3A_158] : memref<320000xi32, #tpu.memory_space<hbm>> -> memref<128xi32, #tpu.memory_space<hbm>>
      tpu.wait_dma2 semaphore(%arg17 : memref<!tpu.dma_semaphore, #tpu.memory_space<semaphore_mem>>) src(%dma_wait3A_159 : memref<128xi32, #tpu.memory_space<hbm>>) dst(%arg7 : memref<128xi32, #tpu.memory_space<vmem>>)
      %dma_start3A_160 = arith.constant 0 : i32
      %dma_start3A_161 = arith.constant 0 : i32
      %dma_start3A_162 = tpu.memref_slice %arg2[%dma_start3A_160, %dma_start3A_161] : memref<10240x128xf32, #tpu.memory_space<hbm>> -> memref<10240x128xf32, #tpu.memory_space<hbm>>
      tpu.enqueue_indirect_dma source(%dma_start3A_162 : memref<10240x128xf32, #tpu.memory_space<hbm>>) target(%arg14 : memref<128x128xf32, #tpu.memory_space<vmem>>) offsets(%arg6 : memref<128xi32, #tpu.memory_space<vmem>>) semaphore(%arg20 : memref<!tpu.dma_semaphore, #tpu.memory_space<semaphore_mem>>)
      %dma_wait3A_163 = arith.constant 0 : i32
      %dma_wait3A_164 = arith.constant 0 : i32
      %dma_wait3A_165 = tpu.memref_slice %arg2[%dma_wait3A_163, %dma_wait3A_164] : memref<10240x128xf32, #tpu.memory_space<hbm>> -> memref<10240x128xf32, #tpu.memory_space<hbm>>
      tpu.wait_indirect_dma semaphore(%arg21 : memref<!tpu.dma_semaphore, #tpu.memory_space<semaphore_mem>>) src(%dma_wait3A_165 : memref<10240x128xf32, #tpu.memory_space<hbm>>) dst(%arg15 : memref<128x128xf32, #tpu.memory_space<vmem>>)
      "tpu.region"() ({
        %run_scoped3A = tpu.sem_alloc : memref<!tpu.dma_semaphore, #tpu.memory_space<semaphore_mem>>
        %dma_start3A_212 = arith.constant 0 : i32
        %dma_start3A_213 = arith.constant 0 : i32
        %dma_start3A_214 = tpu.memref_slice %arg23[%dma_start3A_212, %dma_start3A_213] : memref<10112x128xf32, #tpu.memory_space<vmem_shared>> -> memref<10112x128xf32, #tpu.memory_space<vmem_shared>>
        tpu.enqueue_indirect_dma source(%arg15 : memref<128x128xf32, #tpu.memory_space<vmem>>) target(%dma_start3A_214 : memref<10112x128xf32, #tpu.memory_space<vmem_shared>>) offsets(%arg9 : memref<128xi32, #tpu.memory_space<vmem>>) semaphore(%run_scoped3A : memref<!tpu.dma_semaphore, #tpu.memory_space<semaphore_mem>>) {add = true}
        %dma_wait3A_215 = arith.constant 0 : i32
        %dma_wait3A_216 = arith.constant 0 : i32
        %dma_wait3A_217 = tpu.memref_slice %arg23[%dma_wait3A_215, %dma_wait3A_216] : memref<10112x128xf32, #tpu.memory_space<vmem_shared>> -> memref<10112x128xf32, #tpu.memory_space<vmem_shared>>
        tpu.wait_indirect_dma semaphore(%run_scoped3A : memref<!tpu.dma_semaphore, #tpu.memory_space<semaphore_mem>>) src(%arg15 : memref<128x128xf32, #tpu.memory_space<vmem>>) dst(%dma_wait3A_217 : memref<10112x128xf32, #tpu.memory_space<vmem_shared>>)
        tpu.yield
      }) : () -> ()
      %add3A_166 = arith.constant 1 : i32
      %add3A_167 = arith.addi %mul3A_122, %add3A_166 : i32
      %add3A_168 = arith.constant 3 : i32
      %add3A_169 = arith.addi %add3A_167, %add3A_168 : i32
      %ge3A_170 = arith.constant 78 : i32
      %ge3A_171 = arith.cmpi sge, %add3A_169, %ge3A_170 : i32
      %jit3A_172 = arith.constant 0 : i32
      %select_n3A_173 = arith.select %ge3A_171, %jit3A_172, %add3A_169 : i32
      %mul3A_174 = arith.constant 128 : i32
      %mul3A_175 = arith.muli %select_n3A_173, %mul3A_174 : i32
      %add3A_176 = arith.addi %mul3A_2, %mul3A_175 : i32
      %multiple_of3A_177 = tpu.assume_multiple %add3A_176, 16 : i32
      %dma_start3A_178 = tpu.memref_slice %arg3[%multiple_of3A_177] : memref<320000xi32, #tpu.memory_space<hbm>> -> memref<128xi32, #tpu.memory_space<hbm>>
      %dma_start3A_179 = tpu.memref_slice %arg3[%multiple_of3A_177] : memref<320000xi32, #tpu.memory_space<hbm>> -> memref<128xi32, #tpu.memory_space<hbm>>
      tpu.enqueue_dma source(%dma_start3A_179 : memref<128xi32, #tpu.memory_space<hbm>>) target(%arg8 : memref<128xi32, #tpu.memory_space<vmem>>) target_semaphore(%arg18 : memref<!tpu.dma_semaphore, #tpu.memory_space<semaphore_mem>>)
      %dma_start3A_180 = tpu.memref_slice %arg4[%multiple_of3A_177] : memref<320000xi32, #tpu.memory_space<hbm>> -> memref<128xi32, #tpu.memory_space<hbm>>
      %dma_start3A_181 = tpu.memref_slice %arg4[%multiple_of3A_177] : memref<320000xi32, #tpu.memory_space<hbm>> -> memref<128xi32, #tpu.memory_space<hbm>>
      tpu.enqueue_dma source(%dma_start3A_181 : memref<128xi32, #tpu.memory_space<hbm>>) target(%arg9 : memref<128xi32, #tpu.memory_space<vmem>>) target_semaphore(%arg18 : memref<!tpu.dma_semaphore, #tpu.memory_space<semaphore_mem>>)
      %dma_wait3A_182 = arith.constant 0 : i32
      %dma_wait3A_183 = tpu.memref_slice %arg3[%dma_wait3A_182] : memref<320000xi32, #tpu.memory_space<hbm>> -> memref<128xi32, #tpu.memory_space<hbm>>
      %dma_wait3A_184 = arith.constant 0 : i32
      %dma_wait3A_185 = tpu.memref_slice %arg3[%dma_wait3A_184] : memref<320000xi32, #tpu.memory_space<hbm>> -> memref<128xi32, #tpu.memory_space<hbm>>
      tpu.wait_dma2 semaphore(%arg18 : memref<!tpu.dma_semaphore, #tpu.memory_space<semaphore_mem>>) src(%dma_wait3A_185 : memref<128xi32, #tpu.memory_space<hbm>>) dst(%arg8 : memref<128xi32, #tpu.memory_space<vmem>>)
      %dma_wait3A_186 = arith.constant 0 : i32
      %dma_wait3A_187 = tpu.memref_slice %arg4[%dma_wait3A_186] : memref<320000xi32, #tpu.memory_space<hbm>> -> memref<128xi32, #tpu.memory_space<hbm>>
      %dma_wait3A_188 = arith.constant 0 : i32
      %dma_wait3A_189 = tpu.memref_slice %arg4[%dma_wait3A_188] : memref<320000xi32, #tpu.memory_space<hbm>> -> memref<128xi32, #tpu.memory_space<hbm>>
      tpu.wait_dma2 semaphore(%arg18 : memref<!tpu.dma_semaphore, #tpu.memory_space<semaphore_mem>>) src(%dma_wait3A_189 : memref<128xi32, #tpu.memory_space<hbm>>) dst(%arg9 : memref<128xi32, #tpu.memory_space<vmem>>)
      %dma_start3A_190 = arith.constant 0 : i32
      %dma_start3A_191 = arith.constant 0 : i32
      %dma_start3A_192 = tpu.memref_slice %arg2[%dma_start3A_190, %dma_start3A_191] : memref<10240x128xf32, #tpu.memory_space<hbm>> -> memref<10240x128xf32, #tpu.memory_space<hbm>>
      tpu.enqueue_indirect_dma source(%dma_start3A_192 : memref<10240x128xf32, #tpu.memory_space<hbm>>) target(%arg15 : memref<128x128xf32, #tpu.memory_space<vmem>>) offsets(%arg8 : memref<128xi32, #tpu.memory_space<vmem>>) semaphore(%arg21 : memref<!tpu.dma_semaphore, #tpu.memory_space<semaphore_mem>>)
      %dma_wait3A_193 = arith.constant 0 : i32
      %dma_wait3A_194 = arith.constant 0 : i32
      %dma_wait3A_195 = tpu.memref_slice %arg2[%dma_wait3A_193, %dma_wait3A_194] : memref<10240x128xf32, #tpu.memory_space<hbm>> -> memref<10240x128xf32, #tpu.memory_space<hbm>>
      tpu.wait_indirect_dma semaphore(%arg22 : memref<!tpu.dma_semaphore, #tpu.memory_space<semaphore_mem>>) src(%dma_wait3A_195 : memref<10240x128xf32, #tpu.memory_space<hbm>>) dst(%arg16 : memref<128x128xf32, #tpu.memory_space<vmem>>)
      "tpu.region"() ({
        %run_scoped3A = tpu.sem_alloc : memref<!tpu.dma_semaphore, #tpu.memory_space<semaphore_mem>>
        %dma_start3A_212 = arith.constant 0 : i32
        %dma_start3A_213 = arith.constant 0 : i32
        %dma_start3A_214 = tpu.memref_slice %arg23[%dma_start3A_212, %dma_start3A_213] : memref<10112x128xf32, #tpu.memory_space<vmem_shared>> -> memref<10112x128xf32, #tpu.memory_space<vmem_shared>>
        tpu.enqueue_indirect_dma source(%arg16 : memref<128x128xf32, #tpu.memory_space<vmem>>) target(%dma_start3A_214 : memref<10112x128xf32, #tpu.memory_space<vmem_shared>>) offsets(%arg11 : memref<128xi32, #tpu.memory_space<vmem>>) semaphore(%run_scoped3A : memref<!tpu.dma_semaphore, #tpu.memory_space<semaphore_mem>>) {add = true}
        %dma_wait3A_215 = arith.constant 0 : i32
        %dma_wait3A_216 = arith.constant 0 : i32
        %dma_wait3A_217 = tpu.memref_slice %arg23[%dma_wait3A_215, %dma_wait3A_216] : memref<10112x128xf32, #tpu.memory_space<vmem_shared>> -> memref<10112x128xf32, #tpu.memory_space<vmem_shared>>
        tpu.wait_indirect_dma semaphore(%run_scoped3A : memref<!tpu.dma_semaphore, #tpu.memory_space<semaphore_mem>>) src(%arg16 : memref<128x128xf32, #tpu.memory_space<vmem>>) dst(%dma_wait3A_217 : memref<10112x128xf32, #tpu.memory_space<vmem_shared>>)
        tpu.yield
      }) : () -> ()
      %add3A_196 = arith.constant 2 : i32
      %add3A_197 = arith.addi %mul3A_122, %add3A_196 : i32
      %add3A_198 = arith.constant 3 : i32
      %add3A_199 = arith.addi %add3A_197, %add3A_198 : i32
      %ge3A_200 = arith.constant 78 : i32
      %ge3A_201 = arith.cmpi sge, %add3A_199, %ge3A_200 : i32
      %jit3A_202 = arith.constant 0 : i32
      %select_n3A_203 = arith.select %ge3A_201, %jit3A_202, %add3A_199 : i32
      %mul3A_204 = arith.constant 128 : i32
      %mul3A_205 = arith.muli %select_n3A_203, %mul3A_204 : i32
      %add3A_206 = arith.addi %mul3A_2, %mul3A_205 : i32
      %multiple_of3A_207 = tpu.assume_multiple %add3A_206, 16 : i32
      %dma_start3A_208 = tpu.memref_slice %arg3[%multiple_of3A_207] : memref<320000xi32, #tpu.memory_space<hbm>> -> memref<128xi32, #tpu.memory_space<hbm>>
      %dma_start3A_209 = tpu.memref_slice %arg3[%multiple_of3A_207] : memref<320000xi32, #tpu.memory_space<hbm>> -> memref<128xi32, #tpu.memory_space<hbm>>
      tpu.enqueue_dma source(%dma_start3A_209 : memref<128xi32, #tpu.memory_space<hbm>>) target(%arg10 : memref<128xi32, #tpu.memory_space<vmem>>) target_semaphore(%arg19 : memref<!tpu.dma_semaphore, #tpu.memory_space<semaphore_mem>>)
      %dma_start3A_210 = tpu.memref_slice %arg4[%multiple_of3A_207] : memref<320000xi32, #tpu.memory_space<hbm>> -> memref<128xi32, #tpu.memory_space<hbm>>
      %dma_start3A_211 = tpu.memref_slice %arg4[%multiple_of3A_207] : memref<320000xi32, #tpu.memory_space<hbm>> -> memref<128xi32, #tpu.memory_space<hbm>>
      tpu.enqueue_dma source(%dma_start3A_211 : memref<128xi32, #tpu.memory_space<hbm>>) target(%arg11 : memref<128xi32, #tpu.memory_space<vmem>>) target_semaphore(%arg19 : memref<!tpu.dma_semaphore, #tpu.memory_space<semaphore_mem>>)
    }
    %scan3A_85 = arith.constant 26 : i32
    %dma_wait3A_86 = arith.constant 0 : i32
    %dma_wait3A_87 = arith.constant 0 : i32
    %dma_wait3A_88 = tpu.memref_slice %arg2[%dma_wait3A_86, %dma_wait3A_87] : memref<10240x128xf32, #tpu.memory_space<hbm>> -> memref<10240x128xf32, #tpu.memory_space<hbm>>
    tpu.wait_indirect_dma semaphore(%arg20 : memref<!tpu.dma_semaphore, #tpu.memory_space<semaphore_mem>>) src(%dma_wait3A_88 : memref<10240x128xf32, #tpu.memory_space<hbm>>) dst(%arg14 : memref<128x128xf32, #tpu.memory_space<vmem>>)
    %dma_wait3A_89 = arith.constant 0 : i32
    %dma_wait3A_90 = arith.constant 0 : i32
    %dma_wait3A_91 = tpu.memref_slice %arg2[%dma_wait3A_89, %dma_wait3A_90] : memref<10240x128xf32, #tpu.memory_space<hbm>> -> memref<10240x128xf32, #tpu.memory_space<hbm>>
    tpu.wait_indirect_dma semaphore(%arg21 : memref<!tpu.dma_semaphore, #tpu.memory_space<semaphore_mem>>) src(%dma_wait3A_91 : memref<10240x128xf32, #tpu.memory_space<hbm>>) dst(%arg15 : memref<128x128xf32, #tpu.memory_space<vmem>>)
    %dma_wait3A_92 = arith.constant 0 : i32
    %dma_wait3A_93 = tpu.memref_slice %arg3[%dma_wait3A_92] : memref<320000xi32, #tpu.memory_space<hbm>> -> memref<128xi32, #tpu.memory_space<hbm>>
    %dma_wait3A_94 = arith.constant 0 : i32
    %dma_wait3A_95 = tpu.memref_slice %arg3[%dma_wait3A_94] : memref<320000xi32, #tpu.memory_space<hbm>> -> memref<128xi32, #tpu.memory_space<hbm>>
    tpu.wait_dma2 semaphore(%arg19 : memref<!tpu.dma_semaphore, #tpu.memory_space<semaphore_mem>>) src(%dma_wait3A_95 : memref<128xi32, #tpu.memory_space<hbm>>) dst(%arg10 : memref<128xi32, #tpu.memory_space<vmem>>)
    %dma_wait3A_96 = arith.constant 0 : i32
    %dma_wait3A_97 = tpu.memref_slice %arg4[%dma_wait3A_96] : memref<320000xi32, #tpu.memory_space<hbm>> -> memref<128xi32, #tpu.memory_space<hbm>>
    %dma_wait3A_98 = arith.constant 0 : i32
    %dma_wait3A_99 = tpu.memref_slice %arg4[%dma_wait3A_98] : memref<320000xi32, #tpu.memory_space<hbm>> -> memref<128xi32, #tpu.memory_space<hbm>>
    tpu.wait_dma2 semaphore(%arg19 : memref<!tpu.dma_semaphore, #tpu.memory_space<semaphore_mem>>) src(%dma_wait3A_99 : memref<128xi32, #tpu.memory_space<hbm>>) dst(%arg11 : memref<128xi32, #tpu.memory_space<vmem>>)
    %add3A_100 = arith.constant 9984 : i32
    %add3A_101 = arith.addi %mul3A_2, %add3A_100 : i32
    %multiple_of3A_102 = tpu.assume_multiple %add3A_101, 16 : i32
    "tpu.region"() ({
      %run_scoped3A = tpu.sem_alloc : memref<!tpu.dma_semaphore, #tpu.memory_space<semaphore_mem>>
      %dma_start3A_120 = tpu.memref_slice %arg3[%multiple_of3A_102] : memref<320000xi32, #tpu.memory_space<hbm>> -> memref<16xi32, #tpu.memory_space<hbm>>
      %dma_start3A_121 = tpu.memref_slice %arg3[%multiple_of3A_102] : memref<320000xi32, #tpu.memory_space<hbm>> -> memref<16xi32, #tpu.memory_space<hbm>>
      tpu.enqueue_dma source(%dma_start3A_121 : memref<16xi32, #tpu.memory_space<hbm>>) target(%arg12 : memref<16xi32, #tpu.memory_space<vmem>>) target_semaphore(%run_scoped3A : memref<!tpu.dma_semaphore, #tpu.memory_space<semaphore_mem>>)
      %dma_wait3A_122 = tpu.memref_slice %arg3[%multiple_of3A_102] : memref<320000xi32, #tpu.memory_space<hbm>> -> memref<16xi32, #tpu.memory_space<hbm>>
      %dma_wait3A_123 = tpu.memref_slice %arg3[%multiple_of3A_102] : memref<320000xi32, #tpu.memory_space<hbm>> -> memref<16xi32, #tpu.memory_space<hbm>>
      tpu.wait_dma2 semaphore(%run_scoped3A : memref<!tpu.dma_semaphore, #tpu.memory_space<semaphore_mem>>) src(%dma_wait3A_123 : memref<16xi32, #tpu.memory_space<hbm>>) dst(%arg12 : memref<16xi32, #tpu.memory_space<vmem>>)
      tpu.yield
    }) : () -> ()
    "tpu.region"() ({
      %run_scoped3A = tpu.sem_alloc : memref<!tpu.dma_semaphore, #tpu.memory_space<semaphore_mem>>
      %dma_start3A_120 = tpu.memref_slice %arg4[%multiple_of3A_102] : memref<320000xi32, #tpu.memory_space<hbm>> -> memref<16xi32, #tpu.memory_space<hbm>>
      %dma_start3A_121 = tpu.memref_slice %arg4[%multiple_of3A_102] : memref<320000xi32, #tpu.memory_space<hbm>> -> memref<16xi32, #tpu.memory_space<hbm>>
      tpu.enqueue_dma source(%dma_start3A_121 : memref<16xi32, #tpu.memory_space<hbm>>) target(%arg13 : memref<16xi32, #tpu.memory_space<vmem>>) target_semaphore(%run_scoped3A : memref<!tpu.dma_semaphore, #tpu.memory_space<semaphore_mem>>)
      %dma_wait3A_122 = tpu.memref_slice %arg4[%multiple_of3A_102] : memref<320000xi32, #tpu.memory_space<hbm>> -> memref<16xi32, #tpu.memory_space<hbm>>
      %dma_wait3A_123 = tpu.memref_slice %arg4[%multiple_of3A_102] : memref<320000xi32, #tpu.memory_space<hbm>> -> memref<16xi32, #tpu.memory_space<hbm>>
      tpu.wait_dma2 semaphore(%run_scoped3A : memref<!tpu.dma_semaphore, #tpu.memory_space<semaphore_mem>>) src(%dma_wait3A_123 : memref<16xi32, #tpu.memory_space<hbm>>) dst(%arg13 : memref<16xi32, #tpu.memory_space<vmem>>)
      tpu.yield
    }) : () -> ()
    %dma_start3A_103 = arith.constant 0 : i32
    %dma_start3A_104 = arith.constant 0 : i32
    %dma_start3A_105 = tpu.memref_slice %arg14[%dma_start3A_103, %dma_start3A_104] : memref<128x128xf32, #tpu.memory_space<vmem>> -> memref<16x128xf32, #tpu.memory_space<vmem>>
    %dma_start3A_106 = arith.constant 0 : i32
    %dma_start3A_107 = arith.constant 0 : i32
    %dma_start3A_108 = tpu.memref_slice %arg2[%dma_start3A_106, %dma_start3A_107] : memref<10240x128xf32, #tpu.memory_space<hbm>> -> memref<10240x128xf32, #tpu.memory_space<hbm>>
    tpu.enqueue_indirect_dma source(%dma_start3A_108 : memref<10240x128xf32, #tpu.memory_space<hbm>>) target(%dma_start3A_105 : memref<16x128xf32, #tpu.memory_space<vmem>>) offsets(%arg12 : memref<16xi32, #tpu.memory_space<vmem>>) semaphore(%arg20 : memref<!tpu.dma_semaphore, #tpu.memory_space<semaphore_mem>>)
    %dma_wait3A_109 = arith.constant 0 : i32
    %dma_wait3A_110 = arith.constant 0 : i32
    %dma_wait3A_111 = tpu.memref_slice %arg14[%dma_wait3A_109, %dma_wait3A_110] : memref<128x128xf32, #tpu.memory_space<vmem>> -> memref<16x128xf32, #tpu.memory_space<vmem>>
    %dma_wait3A_112 = arith.constant 0 : i32
    %dma_wait3A_113 = arith.constant 0 : i32
    %dma_wait3A_114 = tpu.memref_slice %arg2[%dma_wait3A_112, %dma_wait3A_113] : memref<10240x128xf32, #tpu.memory_space<hbm>> -> memref<10240x128xf32, #tpu.memory_space<hbm>>
    tpu.wait_indirect_dma semaphore(%arg20 : memref<!tpu.dma_semaphore, #tpu.memory_space<semaphore_mem>>) src(%dma_wait3A_114 : memref<10240x128xf32, #tpu.memory_space<hbm>>) dst(%dma_wait3A_111 : memref<16x128xf32, #tpu.memory_space<vmem>>)
    "tpu.region"() ({
      %run_scoped3A = tpu.sem_alloc : memref<!tpu.dma_semaphore, #tpu.memory_space<semaphore_mem>>
      %dma_start3A_120 = arith.constant 0 : i32
      %dma_start3A_121 = arith.constant 0 : i32
      %dma_start3A_122 = tpu.memref_slice %arg14[%dma_start3A_120, %dma_start3A_121] : memref<128x128xf32, #tpu.memory_space<vmem>> -> memref<16x128xf32, #tpu.memory_space<vmem>>
      %dma_start3A_123 = arith.constant 0 : i32
      %dma_start3A_124 = arith.constant 0 : i32
      %dma_start3A_125 = tpu.memref_slice %arg23[%dma_start3A_123, %dma_start3A_124] : memref<10112x128xf32, #tpu.memory_space<vmem_shared>> -> memref<10112x128xf32, #tpu.memory_space<vmem_shared>>
      tpu.enqueue_indirect_dma source(%dma_start3A_122 : memref<16x128xf32, #tpu.memory_space<vmem>>) target(%dma_start3A_125 : memref<10112x128xf32, #tpu.memory_space<vmem_shared>>) offsets(%arg13 : memref<16xi32, #tpu.memory_space<vmem>>) semaphore(%run_scoped3A : memref<!tpu.dma_semaphore, #tpu.memory_space<semaphore_mem>>) {add = true}
      %dma_wait3A_126 = arith.constant 0 : i32
      %dma_wait3A_127 = arith.constant 0 : i32
      %dma_wait3A_128 = tpu.memref_slice %arg14[%dma_wait3A_126, %dma_wait3A_127] : memref<128x128xf32, #tpu.memory_space<vmem>> -> memref<16x128xf32, #tpu.memory_space<vmem>>
      %dma_wait3A_129 = arith.constant 0 : i32
      %dma_wait3A_130 = arith.constant 0 : i32
      %dma_wait3A_131 = tpu.memref_slice %arg23[%dma_wait3A_129, %dma_wait3A_130] : memref<10112x128xf32, #tpu.memory_space<vmem_shared>> -> memref<10112x128xf32, #tpu.memory_space<vmem_shared>>
      tpu.wait_indirect_dma semaphore(%run_scoped3A : memref<!tpu.dma_semaphore, #tpu.memory_space<semaphore_mem>>) src(%dma_wait3A_128 : memref<16x128xf32, #tpu.memory_space<vmem>>) dst(%dma_wait3A_131 : memref<10112x128xf32, #tpu.memory_space<vmem_shared>>)
      tpu.yield
    }) : () -> ()
    %barrier3A_115 = arith.constant 0 : index
    tpu.barrier barrier_id(%barrier3A_115)
    %mul3A_116 = arith.constant 632 : i32
    %mul3A_117 = arith.muli %arg1, %mul3A_116 : i32
    %mul3A_118 = arith.constant 632 : i32
    %mul3A_119 = arith.muli %arg1, %mul3A_118 : i32
    "tpu.region"() ({
      %run_scoped3A = tpu.sem_alloc : memref<!tpu.dma_semaphore, #tpu.memory_space<semaphore_mem>>
      %dma_start3A_120 = arith.constant 0 : i32
      %dma_start3A_121 = tpu.memref_slice %arg5[%arg0, %mul3A_119, %dma_start3A_120] : memref<2x10240x128xf32, #tpu.memory_space<hbm>> -> memref<1x632x128xf32, #tpu.memory_space<hbm>>
      %dma_start3A_122 = tpu.memref_squeeze %dma_start3A_121 : memref<1x632x128xf32, #tpu.memory_space<hbm>> -> memref<632x128xf32, #tpu.memory_space<hbm>>
      %dma_start3A_123 = arith.constant 0 : i32
      %dma_start3A_124 = tpu.memref_slice %arg23[%mul3A_117, %dma_start3A_123] : memref<10112x128xf32, #tpu.memory_space<vmem_shared>> -> memref<632x128xf32, #tpu.memory_space<vmem_shared>>
      tpu.enqueue_dma source(%dma_start3A_124 : memref<632x128xf32, #tpu.memory_space<vmem_shared>>) target(%dma_start3A_122 : memref<632x128xf32, #tpu.memory_space<hbm>>) target_semaphore(%run_scoped3A : memref<!tpu.dma_semaphore, #tpu.memory_space<semaphore_mem>>)
      %dma_wait3A_125 = arith.constant 0 : i32
      %dma_wait3A_126 = tpu.memref_slice %arg5[%arg0, %mul3A_119, %dma_wait3A_125] : memref<2x10240x128xf32, #tpu.memory_space<hbm>> -> memref<1x632x128xf32, #tpu.memory_space<hbm>>
      %dma_wait3A_127 = tpu.memref_squeeze %dma_wait3A_126 : memref<1x632x128xf32, #tpu.memory_space<hbm>> -> memref<632x128xf32, #tpu.memory_space<hbm>>
      %dma_wait3A_128 = arith.constant 0 : i32
      %dma_wait3A_129 = tpu.memref_slice %arg23[%mul3A_117, %dma_wait3A_128] : memref<10112x128xf32, #tpu.memory_space<vmem_shared>> -> memref<632x128xf32, #tpu.memory_space<vmem_shared>>
      tpu.wait_dma2 semaphore(%run_scoped3A : memref<!tpu.dma_semaphore, #tpu.memory_space<semaphore_mem>>) src(%dma_wait3A_129 : memref<632x128xf32, #tpu.memory_space<vmem_shared>>) dst(%dma_wait3A_127 : memref<632x128xf32, #tpu.memory_space<hbm>>)
      tpu.yield
    }) : () -> ()
    return
  }
}

#map = affine_map<(d0, d1) -> (0, 0)>
#map1 = affine_map<(d0, d1) -> (0)>
module attributes {stable_mosaic.version = 14 : i64} {
  func.func @_deg_call(%arg0: i32, %arg1: i32, %arg2: memref<2500x128xi32, #tpu.memory_space<hbm>>, %arg3: memref<512xi32, #tpu.memory_space<hbm>>, %arg4: memref<2x10240xf32, #tpu.memory_space<hbm>>, %arg5: memref<104x128xi32, #tpu.memory_space<vmem>>, %arg6: memref<128xi32, #tpu.memory_space<vmem>>, %arg7: memref<128xf32, #tpu.memory_space<vmem>>, %arg8: memref<640xf32, #tpu.memory_space<vmem>>, %arg9: memref<!tpu.dma_semaphore, #tpu.memory_space<semaphore_mem>>, %arg10: memref<!tpu.dma_semaphore, #tpu.memory_space<semaphore_mem>>, %arg11: memref<10240xf32, #tpu.memory_space<vmem_shared>>) attributes {dimension_semantics = [#tpu.dimension_semantics<core_parallel>, #tpu.dimension_semantics<subcore_parallel>], iteration_bounds = array<i64: 2, 16>, scalar_prefetch = 0 : i64, scratch_operands = 7 : i64, tpu.core_type = #tpu.core_type<sc_vector_subcore>, window_params = [{transform_indices = #map}, {transform_indices = #map1}, {transform_indices = #map}]} {
    %mul3A = arith.constant 2 : i32
    %mul3A_0 = arith.muli %arg1, %mul3A : i32
    %add3A = arith.addi %mul3A_0, %arg0 : i32
    %broadcast_in_dim3A = arith.constant 0.000000e+00 : f32
    %broadcast_in_dim3A_1 = vector.broadcast %broadcast_in_dim3A : f32 to vector<16xf32>
    %broadcast_in_dim3A_2 = arith.constant 1.000000e+00 : f32
    %broadcast_in_dim3A_3 = vector.broadcast %broadcast_in_dim3A_2 : f32 to vector<16xf32>
    %swap3A = arith.constant 0 : index
    %swap3A_4 = tpu.vector_load %arg8[%swap3A] {strides = array<i32>} : memref<640xf32, #tpu.memory_space<vmem>>, vector<16xf32>,
    %swap3A_5 = vector.shape_cast %swap3A_4 : vector<16xf32> to vector<16xf32>
    %swap3A_6 = vector.shape_cast %broadcast_in_dim3A_1 : vector<16xf32> to vector<16xf32>
    tpu.vector_store %arg8[%swap3A], %swap3A_6 {strides = array<i32>} : memref<640xf32, #tpu.memory_space<vmem>>, vector<16xf32>,
    %swap3A_7 = arith.constant 16 : index
    %swap3A_8 = tpu.vector_load %arg8[%swap3A_7] {strides = array<i32>} : memref<640xf32, #tpu.memory_space<vmem>>, vector<16xf32>,
    %swap3A_9 = vector.shape_cast %swap3A_8 : vector<16xf32> to vector<16xf32>
    %swap3A_10 = vector.shape_cast %broadcast_in_dim3A_1 : vector<16xf32> to vector<16xf32>
    tpu.vector_store %arg8[%swap3A_7], %swap3A_10 {strides = array<i32>} : memref<640xf32, #tpu.memory_space<vmem>>, vector<16xf32>,
    %swap3A_11 = arith.constant 32 : index
    %swap3A_12 = tpu.vector_load %arg8[%swap3A_11] {strides = array<i32>} : memref<640xf32, #tpu.memory_space<vmem>>, vector<16xf32>,
    %swap3A_13 = vector.shape_cast %swap3A_12 : vector<16xf32> to vector<16xf32>
    %swap3A_14 = vector.shape_cast %broadcast_in_dim3A_1 : vector<16xf32> to vector<16xf32>
    tpu.vector_store %arg8[%swap3A_11], %swap3A_14 {strides = array<i32>} : memref<640xf32, #tpu.memory_space<vmem>>, vector<16xf32>,
    %swap3A_15 = arith.constant 48 : index
    %swap3A_16 = tpu.vector_load %arg8[%swap3A_15] {strides = array<i32>} : memref<640xf32, #tpu.memory_space<vmem>>, vector<16xf32>,
    %swap3A_17 = vector.shape_cast %swap3A_16 : vector<16xf32> to vector<16xf32>
    %swap3A_18 = vector.shape_cast %broadcast_in_dim3A_1 : vector<16xf32> to vector<16xf32>
    tpu.vector_store %arg8[%swap3A_15], %swap3A_18 {strides = array<i32>} : memref<640xf32, #tpu.memory_space<vmem>>, vector<16xf32>,
    %swap3A_19 = arith.constant 64 : index
    %swap3A_20 = tpu.vector_load %arg8[%swap3A_19] {strides = array<i32>} : memref<640xf32, #tpu.memory_space<vmem>>, vector<16xf32>,
    %swap3A_21 = vector.shape_cast %swap3A_20 : vector<16xf32> to vector<16xf32>
    %swap3A_22 = vector.shape_cast %broadcast_in_dim3A_1 : vector<16xf32> to vector<16xf32>
    tpu.vector_store %arg8[%swap3A_19], %swap3A_22 {strides = array<i32>} : memref<640xf32, #tpu.memory_space<vmem>>, vector<16xf32>,
    %swap3A_23 = arith.constant 80 : index
    %swap3A_24 = tpu.vector_load %arg8[%swap3A_23] {strides = array<i32>} : memref<640xf32, #tpu.memory_space<vmem>>, vector<16xf32>,
    %swap3A_25 = vector.shape_cast %swap3A_24 : vector<16xf32> to vector<16xf32>
    %swap3A_26 = vector.shape_cast %broadcast_in_dim3A_1 : vector<16xf32> to vector<16xf32>
    tpu.vector_store %arg8[%swap3A_23], %swap3A_26 {strides = array<i32>} : memref<640xf32, #tpu.memory_space<vmem>>, vector<16xf32>,
    %swap3A_27 = arith.constant 96 : index
    %swap3A_28 = tpu.vector_load %arg8[%swap3A_27] {strides = array<i32>} : memref<640xf32, #tpu.memory_space<vmem>>, vector<16xf32>,
    %swap3A_29 = vector.shape_cast %swap3A_28 : vector<16xf32> to vector<16xf32>
    %swap3A_30 = vector.shape_cast %broadcast_in_dim3A_1 : vector<16xf32> to vector<16xf32>
    tpu.vector_store %arg8[%swap3A_27], %swap3A_30 {strides = array<i32>} : memref<640xf32, #tpu.memory_space<vmem>>, vector<16xf32>,
    %swap3A_31 = arith.constant 112 : index
    %swap3A_32 = tpu.vector_load %arg8[%swap3A_31] {strides = array<i32>} : memref<640xf32, #tpu.memory_space<vmem>>, vector<16xf32>,
    %swap3A_33 = vector.shape_cast %swap3A_32 : vector<16xf32> to vector<16xf32>
    %swap3A_34 = vector.shape_cast %broadcast_in_dim3A_1 : vector<16xf32> to vector<16xf32>
    tpu.vector_store %arg8[%swap3A_31], %swap3A_34 {strides = array<i32>} : memref<640xf32, #tpu.memory_space<vmem>>, vector<16xf32>,
    %swap3A_35 = arith.constant 128 : index
    %swap3A_36 = tpu.vector_load %arg8[%swap3A_35] {strides = array<i32>} : memref<640xf32, #tpu.memory_space<vmem>>, vector<16xf32>,
    %swap3A_37 = vector.shape_cast %swap3A_36 : vector<16xf32> to vector<16xf32>
    %swap3A_38 = vector.shape_cast %broadcast_in_dim3A_1 : vector<16xf32> to vector<16xf32>
    tpu.vector_store %arg8[%swap3A_35], %swap3A_38 {strides = array<i32>} : memref<640xf32, #tpu.memory_space<vmem>>, vector<16xf32>,
    %swap3A_39 = arith.constant 144 : index
    %swap3A_40 = tpu.vector_load %arg8[%swap3A_39] {strides = array<i32>} : memref<640xf32, #tpu.memory_space<vmem>>, vector<16xf32>,
    %swap3A_41 = vector.shape_cast %swap3A_40 : vector<16xf32> to vector<16xf32>
    %swap3A_42 = vector.shape_cast %broadcast_in_dim3A_1 : vector<16xf32> to vector<16xf32>
    tpu.vector_store %arg8[%swap3A_39], %swap3A_42 {strides = array<i32>} : memref<640xf32, #tpu.memory_space<vmem>>, vector<16xf32>,
    %swap3A_43 = arith.constant 160 : index
    %swap3A_44 = tpu.vector_load %arg8[%swap3A_43] {strides = array<i32>} : memref<640xf32, #tpu.memory_space<vmem>>, vector<16xf32>,
    %swap3A_45 = vector.shape_cast %swap3A_44 : vector<16xf32> to vector<16xf32>
    %swap3A_46 = vector.shape_cast %broadcast_in_dim3A_1 : vector<16xf32> to vector<16xf32>
    tpu.vector_store %arg8[%swap3A_43], %swap3A_46 {strides = array<i32>} : memref<640xf32, #tpu.memory_space<vmem>>, vector<16xf32>,
    %swap3A_47 = arith.constant 176 : index
    %swap3A_48 = tpu.vector_load %arg8[%swap3A_47] {strides = array<i32>} : memref<640xf32, #tpu.memory_space<vmem>>, vector<16xf32>,
    %swap3A_49 = vector.shape_cast %swap3A_48 : vector<16xf32> to vector<16xf32>
    %swap3A_50 = vector.shape_cast %broadcast_in_dim3A_1 : vector<16xf32> to vector<16xf32>
    tpu.vector_store %arg8[%swap3A_47], %swap3A_50 {strides = array<i32>} : memref<640xf32, #tpu.memory_space<vmem>>, vector<16xf32>,
    %swap3A_51 = arith.constant 192 : index
    %swap3A_52 = tpu.vector_load %arg8[%swap3A_51] {strides = array<i32>} : memref<640xf32, #tpu.memory_space<vmem>>, vector<16xf32>,
    %swap3A_53 = vector.shape_cast %swap3A_52 : vector<16xf32> to vector<16xf32>
    %swap3A_54 = vector.shape_cast %broadcast_in_dim3A_1 : vector<16xf32> to vector<16xf32>
    tpu.vector_store %arg8[%swap3A_51], %swap3A_54 {strides = array<i32>} : memref<640xf32, #tpu.memory_space<vmem>>, vector<16xf32>,
    %swap3A_55 = arith.constant 208 : index
    %swap3A_56 = tpu.vector_load %arg8[%swap3A_55] {strides = array<i32>} : memref<640xf32, #tpu.memory_space<vmem>>, vector<16xf32>,
    %swap3A_57 = vector.shape_cast %swap3A_56 : vector<16xf32> to vector<16xf32>
    %swap3A_58 = vector.shape_cast %broadcast_in_dim3A_1 : vector<16xf32> to vector<16xf32>
    tpu.vector_store %arg8[%swap3A_55], %swap3A_58 {strides = array<i32>} : memref<640xf32, #tpu.memory_space<vmem>>, vector<16xf32>,
    %swap3A_59 = arith.constant 224 : index
    %swap3A_60 = tpu.vector_load %arg8[%swap3A_59] {strides = array<i32>} : memref<640xf32, #tpu.memory_space<vmem>>, vector<16xf32>,
    %swap3A_61 = vector.shape_cast %swap3A_60 : vector<16xf32> to vector<16xf32>
    %swap3A_62 = vector.shape_cast %broadcast_in_dim3A_1 : vector<16xf32> to vector<16xf32>
    tpu.vector_store %arg8[%swap3A_59], %swap3A_62 {strides = array<i32>} : memref<640xf32, #tpu.memory_space<vmem>>, vector<16xf32>,
    %swap3A_63 = arith.constant 240 : index
    %swap3A_64 = tpu.vector_load %arg8[%swap3A_63] {strides = array<i32>} : memref<640xf32, #tpu.memory_space<vmem>>, vector<16xf32>,
    %swap3A_65 = vector.shape_cast %swap3A_64 : vector<16xf32> to vector<16xf32>
    %swap3A_66 = vector.shape_cast %broadcast_in_dim3A_1 : vector<16xf32> to vector<16xf32>
    tpu.vector_store %arg8[%swap3A_63], %swap3A_66 {strides = array<i32>} : memref<640xf32, #tpu.memory_space<vmem>>, vector<16xf32>,
    %swap3A_67 = arith.constant 256 : index
    %swap3A_68 = tpu.vector_load %arg8[%swap3A_67] {strides = array<i32>} : memref<640xf32, #tpu.memory_space<vmem>>, vector<16xf32>,
    %swap3A_69 = vector.shape_cast %swap3A_68 : vector<16xf32> to vector<16xf32>
    %swap3A_70 = vector.shape_cast %broadcast_in_dim3A_1 : vector<16xf32> to vector<16xf32>
    tpu.vector_store %arg8[%swap3A_67], %swap3A_70 {strides = array<i32>} : memref<640xf32, #tpu.memory_space<vmem>>, vector<16xf32>,
    %swap3A_71 = arith.constant 272 : index
    %swap3A_72 = tpu.vector_load %arg8[%swap3A_71] {strides = array<i32>} : memref<640xf32, #tpu.memory_space<vmem>>, vector<16xf32>,
    %swap3A_73 = vector.shape_cast %swap3A_72 : vector<16xf32> to vector<16xf32>
    %swap3A_74 = vector.shape_cast %broadcast_in_dim3A_1 : vector<16xf32> to vector<16xf32>
    tpu.vector_store %arg8[%swap3A_71], %swap3A_74 {strides = array<i32>} : memref<640xf32, #tpu.memory_space<vmem>>, vector<16xf32>,
    %swap3A_75 = arith.constant 288 : index
    %swap3A_76 = tpu.vector_load %arg8[%swap3A_75] {strides = array<i32>} : memref<640xf32, #tpu.memory_space<vmem>>, vector<16xf32>,
    %swap3A_77 = vector.shape_cast %swap3A_76 : vector<16xf32> to vector<16xf32>
    %swap3A_78 = vector.shape_cast %broadcast_in_dim3A_1 : vector<16xf32> to vector<16xf32>
    tpu.vector_store %arg8[%swap3A_75], %swap3A_78 {strides = array<i32>} : memref<640xf32, #tpu.memory_space<vmem>>, vector<16xf32>,
    %swap3A_79 = arith.constant 304 : index
    %swap3A_80 = tpu.vector_load %arg8[%swap3A_79] {strides = array<i32>} : memref<640xf32, #tpu.memory_space<vmem>>, vector<16xf32>,
    %swap3A_81 = vector.shape_cast %swap3A_80 : vector<16xf32> to vector<16xf32>
    %swap3A_82 = vector.shape_cast %broadcast_in_dim3A_1 : vector<16xf32> to vector<16xf32>
    tpu.vector_store %arg8[%swap3A_79], %swap3A_82 {strides = array<i32>} : memref<640xf32, #tpu.memory_space<vmem>>, vector<16xf32>,
    %swap3A_83 = arith.constant 320 : index
    %swap3A_84 = tpu.vector_load %arg8[%swap3A_83] {strides = array<i32>} : memref<640xf32, #tpu.memory_space<vmem>>, vector<16xf32>,
    %swap3A_85 = vector.shape_cast %swap3A_84 : vector<16xf32> to vector<16xf32>
    %swap3A_86 = vector.shape_cast %broadcast_in_dim3A_1 : vector<16xf32> to vector<16xf32>
    tpu.vector_store %arg8[%swap3A_83], %swap3A_86 {strides = array<i32>} : memref<640xf32, #tpu.memory_space<vmem>>, vector<16xf32>,
    %swap3A_87 = arith.constant 336 : index
    %swap3A_88 = tpu.vector_load %arg8[%swap3A_87] {strides = array<i32>} : memref<640xf32, #tpu.memory_space<vmem>>, vector<16xf32>,
    %swap3A_89 = vector.shape_cast %swap3A_88 : vector<16xf32> to vector<16xf32>
    %swap3A_90 = vector.shape_cast %broadcast_in_dim3A_1 : vector<16xf32> to vector<16xf32>
    tpu.vector_store %arg8[%swap3A_87], %swap3A_90 {strides = array<i32>} : memref<640xf32, #tpu.memory_space<vmem>>, vector<16xf32>,
    %swap3A_91 = arith.constant 352 : index
    %swap3A_92 = tpu.vector_load %arg8[%swap3A_91] {strides = array<i32>} : memref<640xf32, #tpu.memory_space<vmem>>, vector<16xf32>,
    %swap3A_93 = vector.shape_cast %swap3A_92 : vector<16xf32> to vector<16xf32>
    %swap3A_94 = vector.shape_cast %broadcast_in_dim3A_1 : vector<16xf32> to vector<16xf32>
    tpu.vector_store %arg8[%swap3A_91], %swap3A_94 {strides = array<i32>} : memref<640xf32, #tpu.memory_space<vmem>>, vector<16xf32>,
    %swap3A_95 = arith.constant 368 : index
    %swap3A_96 = tpu.vector_load %arg8[%swap3A_95] {strides = array<i32>} : memref<640xf32, #tpu.memory_space<vmem>>, vector<16xf32>,
    %swap3A_97 = vector.shape_cast %swap3A_96 : vector<16xf32> to vector<16xf32>
    %swap3A_98 = vector.shape_cast %broadcast_in_dim3A_1 : vector<16xf32> to vector<16xf32>
    tpu.vector_store %arg8[%swap3A_95], %swap3A_98 {strides = array<i32>} : memref<640xf32, #tpu.memory_space<vmem>>, vector<16xf32>,
    %swap3A_99 = arith.constant 384 : index
    %swap3A_100 = tpu.vector_load %arg8[%swap3A_99] {strides = array<i32>} : memref<640xf32, #tpu.memory_space<vmem>>, vector<16xf32>,
    %swap3A_101 = vector.shape_cast %swap3A_100 : vector<16xf32> to vector<16xf32>
    %swap3A_102 = vector.shape_cast %broadcast_in_dim3A_1 : vector<16xf32> to vector<16xf32>
    tpu.vector_store %arg8[%swap3A_99], %swap3A_102 {strides = array<i32>} : memref<640xf32, #tpu.memory_space<vmem>>, vector<16xf32>,
    %swap3A_103 = arith.constant 400 : index
    %swap3A_104 = tpu.vector_load %arg8[%swap3A_103] {strides = array<i32>} : memref<640xf32, #tpu.memory_space<vmem>>, vector<16xf32>,
    %swap3A_105 = vector.shape_cast %swap3A_104 : vector<16xf32> to vector<16xf32>
    %swap3A_106 = vector.shape_cast %broadcast_in_dim3A_1 : vector<16xf32> to vector<16xf32>
    tpu.vector_store %arg8[%swap3A_103], %swap3A_106 {strides = array<i32>} : memref<640xf32, #tpu.memory_space<vmem>>, vector<16xf32>,
    %swap3A_107 = arith.constant 416 : index
    %swap3A_108 = tpu.vector_load %arg8[%swap3A_107] {strides = array<i32>} : memref<640xf32, #tpu.memory_space<vmem>>, vector<16xf32>,
    %swap3A_109 = vector.shape_cast %swap3A_108 : vector<16xf32> to vector<16xf32>
    %swap3A_110 = vector.shape_cast %broadcast_in_dim3A_1 : vector<16xf32> to vector<16xf32>
    tpu.vector_store %arg8[%swap3A_107], %swap3A_110 {strides = array<i32>} : memref<640xf32, #tpu.memory_space<vmem>>, vector<16xf32>,
    %swap3A_111 = arith.constant 432 : index
    %swap3A_112 = tpu.vector_load %arg8[%swap3A_111] {strides = array<i32>} : memref<640xf32, #tpu.memory_space<vmem>>, vector<16xf32>,
    %swap3A_113 = vector.shape_cast %swap3A_112 : vector<16xf32> to vector<16xf32>
    %swap3A_114 = vector.shape_cast %broadcast_in_dim3A_1 : vector<16xf32> to vector<16xf32>
    tpu.vector_store %arg8[%swap3A_111], %swap3A_114 {strides = array<i32>} : memref<640xf32, #tpu.memory_space<vmem>>, vector<16xf32>,
    %swap3A_115 = arith.constant 448 : index
    %swap3A_116 = tpu.vector_load %arg8[%swap3A_115] {strides = array<i32>} : memref<640xf32, #tpu.memory_space<vmem>>, vector<16xf32>,
    %swap3A_117 = vector.shape_cast %swap3A_116 : vector<16xf32> to vector<16xf32>
    %swap3A_118 = vector.shape_cast %broadcast_in_dim3A_1 : vector<16xf32> to vector<16xf32>
    tpu.vector_store %arg8[%swap3A_115], %swap3A_118 {strides = array<i32>} : memref<640xf32, #tpu.memory_space<vmem>>, vector<16xf32>,
    %swap3A_119 = arith.constant 464 : index
    %swap3A_120 = tpu.vector_load %arg8[%swap3A_119] {strides = array<i32>} : memref<640xf32, #tpu.memory_space<vmem>>, vector<16xf32>,
    %swap3A_121 = vector.shape_cast %swap3A_120 : vector<16xf32> to vector<16xf32>
    %swap3A_122 = vector.shape_cast %broadcast_in_dim3A_1 : vector<16xf32> to vector<16xf32>
    tpu.vector_store %arg8[%swap3A_119], %swap3A_122 {strides = array<i32>} : memref<640xf32, #tpu.memory_space<vmem>>, vector<16xf32>,
    %swap3A_123 = arith.constant 480 : index
    %swap3A_124 = tpu.vector_load %arg8[%swap3A_123] {strides = array<i32>} : memref<640xf32, #tpu.memory_space<vmem>>, vector<16xf32>,
    %swap3A_125 = vector.shape_cast %swap3A_124 : vector<16xf32> to vector<16xf32>
    %swap3A_126 = vector.shape_cast %broadcast_in_dim3A_1 : vector<16xf32> to vector<16xf32>
    tpu.vector_store %arg8[%swap3A_123], %swap3A_126 {strides = array<i32>} : memref<640xf32, #tpu.memory_space<vmem>>, vector<16xf32>,
    %swap3A_127 = arith.constant 496 : index
    %swap3A_128 = tpu.vector_load %arg8[%swap3A_127] {strides = array<i32>} : memref<640xf32, #tpu.memory_space<vmem>>, vector<16xf32>,
    %swap3A_129 = vector.shape_cast %swap3A_128 : vector<16xf32> to vector<16xf32>
    %swap3A_130 = vector.shape_cast %broadcast_in_dim3A_1 : vector<16xf32> to vector<16xf32>
    tpu.vector_store %arg8[%swap3A_127], %swap3A_130 {strides = array<i32>} : memref<640xf32, #tpu.memory_space<vmem>>, vector<16xf32>,
    %swap3A_131 = arith.constant 512 : index
    %swap3A_132 = tpu.vector_load %arg8[%swap3A_131] {strides = array<i32>} : memref<640xf32, #tpu.memory_space<vmem>>, vector<16xf32>,
    %swap3A_133 = vector.shape_cast %swap3A_132 : vector<16xf32> to vector<16xf32>
    %swap3A_134 = vector.shape_cast %broadcast_in_dim3A_1 : vector<16xf32> to vector<16xf32>
    tpu.vector_store %arg8[%swap3A_131], %swap3A_134 {strides = array<i32>} : memref<640xf32, #tpu.memory_space<vmem>>, vector<16xf32>,
    %swap3A_135 = arith.constant 528 : index
    %swap3A_136 = tpu.vector_load %arg8[%swap3A_135] {strides = array<i32>} : memref<640xf32, #tpu.memory_space<vmem>>, vector<16xf32>,
    %swap3A_137 = vector.shape_cast %swap3A_136 : vector<16xf32> to vector<16xf32>
    %swap3A_138 = vector.shape_cast %broadcast_in_dim3A_1 : vector<16xf32> to vector<16xf32>
    tpu.vector_store %arg8[%swap3A_135], %swap3A_138 {strides = array<i32>} : memref<640xf32, #tpu.memory_space<vmem>>, vector<16xf32>,
    %swap3A_139 = arith.constant 544 : index
    %swap3A_140 = tpu.vector_load %arg8[%swap3A_139] {strides = array<i32>} : memref<640xf32, #tpu.memory_space<vmem>>, vector<16xf32>,
    %swap3A_141 = vector.shape_cast %swap3A_140 : vector<16xf32> to vector<16xf32>
    %swap3A_142 = vector.shape_cast %broadcast_in_dim3A_1 : vector<16xf32> to vector<16xf32>
    tpu.vector_store %arg8[%swap3A_139], %swap3A_142 {strides = array<i32>} : memref<640xf32, #tpu.memory_space<vmem>>, vector<16xf32>,
    %swap3A_143 = arith.constant 560 : index
    %swap3A_144 = tpu.vector_load %arg8[%swap3A_143] {strides = array<i32>} : memref<640xf32, #tpu.memory_space<vmem>>, vector<16xf32>,
    %swap3A_145 = vector.shape_cast %swap3A_144 : vector<16xf32> to vector<16xf32>
    %swap3A_146 = vector.shape_cast %broadcast_in_dim3A_1 : vector<16xf32> to vector<16xf32>
    tpu.vector_store %arg8[%swap3A_143], %swap3A_146 {strides = array<i32>} : memref<640xf32, #tpu.memory_space<vmem>>, vector<16xf32>,
    %swap3A_147 = arith.constant 576 : index
    %swap3A_148 = tpu.vector_load %arg8[%swap3A_147] {strides = array<i32>} : memref<640xf32, #tpu.memory_space<vmem>>, vector<16xf32>,
    %swap3A_149 = vector.shape_cast %swap3A_148 : vector<16xf32> to vector<16xf32>
    %swap3A_150 = vector.shape_cast %broadcast_in_dim3A_1 : vector<16xf32> to vector<16xf32>
    tpu.vector_store %arg8[%swap3A_147], %swap3A_150 {strides = array<i32>} : memref<640xf32, #tpu.memory_space<vmem>>, vector<16xf32>,
    %swap3A_151 = arith.constant 592 : index
    %swap3A_152 = tpu.vector_load %arg8[%swap3A_151] {strides = array<i32>} : memref<640xf32, #tpu.memory_space<vmem>>, vector<16xf32>,
    %swap3A_153 = vector.shape_cast %swap3A_152 : vector<16xf32> to vector<16xf32>
    %swap3A_154 = vector.shape_cast %broadcast_in_dim3A_1 : vector<16xf32> to vector<16xf32>
    tpu.vector_store %arg8[%swap3A_151], %swap3A_154 {strides = array<i32>} : memref<640xf32, #tpu.memory_space<vmem>>, vector<16xf32>,
    %swap3A_155 = arith.constant 608 : index
    %swap3A_156 = tpu.vector_load %arg8[%swap3A_155] {strides = array<i32>} : memref<640xf32, #tpu.memory_space<vmem>>, vector<16xf32>,
    %swap3A_157 = vector.shape_cast %swap3A_156 : vector<16xf32> to vector<16xf32>
    %swap3A_158 = vector.shape_cast %broadcast_in_dim3A_1 : vector<16xf32> to vector<16xf32>
    tpu.vector_store %arg8[%swap3A_155], %swap3A_158 {strides = array<i32>} : memref<640xf32, #tpu.memory_space<vmem>>, vector<16xf32>,
    %swap3A_159 = arith.constant 624 : index
    %swap3A_160 = tpu.vector_load %arg8[%swap3A_159] {strides = array<i32>} : memref<640xf32, #tpu.memory_space<vmem>>, vector<16xf32>,
    %swap3A_161 = vector.shape_cast %swap3A_160 : vector<16xf32> to vector<16xf32>
    %swap3A_162 = vector.shape_cast %broadcast_in_dim3A_1 : vector<16xf32> to vector<16xf32>
    tpu.vector_store %arg8[%swap3A_159], %swap3A_162 {strides = array<i32>} : memref<640xf32, #tpu.memory_space<vmem>>, vector<16xf32>,
    %swap3A_163 = arith.constant 0 : index
    %swap3A_164 = tpu.vector_load %arg7[%swap3A_163] {strides = array<i32>} : memref<128xf32, #tpu.memory_space<vmem>>, vector<16xf32>,
    %swap3A_165 = vector.shape_cast %swap3A_164 : vector<16xf32> to vector<16xf32>
    %swap3A_166 = vector.shape_cast %broadcast_in_dim3A_3 : vector<16xf32> to vector<16xf32>
    tpu.vector_store %arg7[%swap3A_163], %swap3A_166 {strides = array<i32>} : memref<128xf32, #tpu.memory_space<vmem>>, vector<16xf32>,
    %swap3A_167 = arith.constant 16 : index
    %swap3A_168 = tpu.vector_load %arg7[%swap3A_167] {strides = array<i32>} : memref<128xf32, #tpu.memory_space<vmem>>, vector<16xf32>,
    %swap3A_169 = vector.shape_cast %swap3A_168 : vector<16xf32> to vector<16xf32>
    %swap3A_170 = vector.shape_cast %broadcast_in_dim3A_3 : vector<16xf32> to vector<16xf32>
    tpu.vector_store %arg7[%swap3A_167], %swap3A_170 {strides = array<i32>} : memref<128xf32, #tpu.memory_space<vmem>>, vector<16xf32>,
    %swap3A_171 = arith.constant 32 : index
    %swap3A_172 = tpu.vector_load %arg7[%swap3A_171] {strides = array<i32>} : memref<128xf32, #tpu.memory_space<vmem>>, vector<16xf32>,
    %swap3A_173 = vector.shape_cast %swap3A_172 : vector<16xf32> to vector<16xf32>
    %swap3A_174 = vector.shape_cast %broadcast_in_dim3A_3 : vector<16xf32> to vector<16xf32>
    tpu.vector_store %arg7[%swap3A_171], %swap3A_174 {strides = array<i32>} : memref<128xf32, #tpu.memory_space<vmem>>, vector<16xf32>,
    %swap3A_175 = arith.constant 48 : index
    %swap3A_176 = tpu.vector_load %arg7[%swap3A_175] {strides = array<i32>} : memref<128xf32, #tpu.memory_space<vmem>>, vector<16xf32>,
    %swap3A_177 = vector.shape_cast %swap3A_176 : vector<16xf32> to vector<16xf32>
    %swap3A_178 = vector.shape_cast %broadcast_in_dim3A_3 : vector<16xf32> to vector<16xf32>
    tpu.vector_store %arg7[%swap3A_175], %swap3A_178 {strides = array<i32>} : memref<128xf32, #tpu.memory_space<vmem>>, vector<16xf32>,
    %swap3A_179 = arith.constant 64 : index
    %swap3A_180 = tpu.vector_load %arg7[%swap3A_179] {strides = array<i32>} : memref<128xf32, #tpu.memory_space<vmem>>, vector<16xf32>,
    %swap3A_181 = vector.shape_cast %swap3A_180 : vector<16xf32> to vector<16xf32>
    %swap3A_182 = vector.shape_cast %broadcast_in_dim3A_3 : vector<16xf32> to vector<16xf32>
    tpu.vector_store %arg7[%swap3A_179], %swap3A_182 {strides = array<i32>} : memref<128xf32, #tpu.memory_space<vmem>>, vector<16xf32>,
    %swap3A_183 = arith.constant 80 : index
    %swap3A_184 = tpu.vector_load %arg7[%swap3A_183] {strides = array<i32>} : memref<128xf32, #tpu.memory_space<vmem>>, vector<16xf32>,
    %swap3A_185 = vector.shape_cast %swap3A_184 : vector<16xf32> to vector<16xf32>
    %swap3A_186 = vector.shape_cast %broadcast_in_dim3A_3 : vector<16xf32> to vector<16xf32>
    tpu.vector_store %arg7[%swap3A_183], %swap3A_186 {strides = array<i32>} : memref<128xf32, #tpu.memory_space<vmem>>, vector<16xf32>,
    %swap3A_187 = arith.constant 96 : index
    %swap3A_188 = tpu.vector_load %arg7[%swap3A_187] {strides = array<i32>} : memref<128xf32, #tpu.memory_space<vmem>>, vector<16xf32>,
    %swap3A_189 = vector.shape_cast %swap3A_188 : vector<16xf32> to vector<16xf32>
    %swap3A_190 = vector.shape_cast %broadcast_in_dim3A_3 : vector<16xf32> to vector<16xf32>
    tpu.vector_store %arg7[%swap3A_187], %swap3A_190 {strides = array<i32>} : memref<128xf32, #tpu.memory_space<vmem>>, vector<16xf32>,
    %swap3A_191 = arith.constant 112 : index
    %swap3A_192 = tpu.vector_load %arg7[%swap3A_191] {strides = array<i32>} : memref<128xf32, #tpu.memory_space<vmem>>, vector<16xf32>,
    %swap3A_193 = vector.shape_cast %swap3A_192 : vector<16xf32> to vector<16xf32>
    %swap3A_194 = vector.shape_cast %broadcast_in_dim3A_3 : vector<16xf32> to vector<16xf32>
    tpu.vector_store %arg7[%swap3A_191], %swap3A_194 {strides = array<i32>} : memref<128xf32, #tpu.memory_space<vmem>>, vector<16xf32>,
    %mul3A_195 = arith.constant 640 : i32
    %mul3A_196 = arith.muli %arg1, %mul3A_195 : i32
    "tpu.region"() ({
      %run_scoped3A = tpu.sem_alloc : memref<!tpu.dma_semaphore, #tpu.memory_space<semaphore_mem>>
      %dma_start3A = tpu.memref_slice %arg11[%mul3A_196] : memref<10240xf32, #tpu.memory_space<vmem_shared>> -> memref<640xf32, #tpu.memory_space<vmem_shared>>
      %dma_start3A_213 = tpu.memref_slice %arg11[%mul3A_196] : memref<10240xf32, #tpu.memory_space<vmem_shared>> -> memref<640xf32, #tpu.memory_space<vmem_shared>>
      tpu.enqueue_dma source(%arg8 : memref<640xf32, #tpu.memory_space<vmem>>) target(%dma_start3A_213 : memref<640xf32, #tpu.memory_space<vmem_shared>>) target_semaphore(%run_scoped3A : memref<!tpu.dma_semaphore, #tpu.memory_space<semaphore_mem>>)
      %dma_wait3A = tpu.memref_slice %arg11[%mul3A_196] : memref<10240xf32, #tpu.memory_space<vmem_shared>> -> memref<640xf32, #tpu.memory_space<vmem_shared>>
      %dma_wait3A_214 = tpu.memref_slice %arg11[%mul3A_196] : memref<10240xf32, #tpu.memory_space<vmem_shared>> -> memref<640xf32, #tpu.memory_space<vmem_shared>>
      tpu.wait_dma2 semaphore(%run_scoped3A : memref<!tpu.dma_semaphore, #tpu.memory_space<semaphore_mem>>) src(%arg8 : memref<640xf32, #tpu.memory_space<vmem>>) dst(%dma_wait3A_214 : memref<640xf32, #tpu.memory_space<vmem_shared>>)
      tpu.yield
    }) : () -> ()
    %lt3A = arith.constant 24 : i32
    %lt3A_197 = arith.cmpi slt, %add3A, %lt3A : i32
    %convert_element_type3A = arith.extui %lt3A_197 : i1 to i32
    %cond3A = arith.constant 0 : i32
    %cond3A_198 = arith.cmpi ne, %convert_element_type3A, %cond3A : i32
    scf.if %cond3A_198 {
      %mul3A_213 = arith.constant 104 : i32
      %mul3A_214 = arith.muli %add3A, %mul3A_213 : i32
      "tpu.region"() ({
        %run_scoped3A = tpu.sem_alloc : memref<!tpu.dma_semaphore, #tpu.memory_space<semaphore_mem>>
        %dma_start3A = arith.constant 0 : i32
        %dma_start3A_215 = tpu.memref_slice %arg2[%mul3A_214, %dma_start3A] : memref<2500x128xi32, #tpu.memory_space<hbm>> -> memref<104x128xi32, #tpu.memory_space<hbm>>
        %dma_start3A_216 = arith.constant 0 : i32
        %dma_start3A_217 = tpu.memref_slice %arg2[%mul3A_214, %dma_start3A_216] : memref<2500x128xi32, #tpu.memory_space<hbm>> -> memref<104x128xi32, #tpu.memory_space<hbm>>
        tpu.enqueue_dma source(%dma_start3A_217 : memref<104x128xi32, #tpu.memory_space<hbm>>) target(%arg5 : memref<104x128xi32, #tpu.memory_space<vmem>>) target_semaphore(%run_scoped3A : memref<!tpu.dma_semaphore, #tpu.memory_space<semaphore_mem>>)
        %dma_wait3A = arith.constant 0 : i32
        %dma_wait3A_218 = tpu.memref_slice %arg2[%mul3A_214, %dma_wait3A] : memref<2500x128xi32, #tpu.memory_space<hbm>> -> memref<104x128xi32, #tpu.memory_space<hbm>>
        %dma_wait3A_219 = arith.constant 0 : i32
        %dma_wait3A_220 = tpu.memref_slice %arg2[%mul3A_214, %dma_wait3A_219] : memref<2500x128xi32, #tpu.memory_space<hbm>> -> memref<104x128xi32, #tpu.memory_space<hbm>>
        tpu.wait_dma2 semaphore(%run_scoped3A : memref<!tpu.dma_semaphore, #tpu.memory_space<semaphore_mem>>) src(%dma_wait3A_220 : memref<104x128xi32, #tpu.memory_space<hbm>>) dst(%arg5 : memref<104x128xi32, #tpu.memory_space<vmem>>)
        tpu.yield
      }) : () -> ()
    } else {
    }
    %barrier3A = arith.constant 0 : index
    tpu.barrier barrier_id(%barrier3A)
    %lt3A_199 = arith.constant 24 : i32
    %lt3A_200 = arith.cmpi slt, %add3A, %lt3A_199 : i32
    %convert_element_type3A_201 = arith.extui %lt3A_200 : i1 to i32
    %cond3A_202 = arith.constant 0 : i32
    %cond3A_203 = arith.cmpi ne, %convert_element_type3A_201, %cond3A_202 : i32
    scf.if %cond3A_203 {
      %scan3A = arith.constant 0 : i32
      %scan3A_213 = arith.constant 13 : i32
      %scan3A_214 = arith.addi %scan3A, %scan3A_213 : i32
      %scan3A_215 = arith.constant 1 : i32
      scf.for %scan3A_217 = %scan3A to %scan3A_214 step %scan3A_215  : i32 {
        %mul3A_218 = arith.constant 8 : i32
        %mul3A_219 = arith.muli %scan3A_217, %mul3A_218 : i32
        %add3A_220 = arith.constant 0 : i32
        %add3A_221 = arith.addi %mul3A_219, %add3A_220 : i32
        %dma_start3A = arith.constant 0 : i32
        %dma_start3A_222 = tpu.memref_slice %arg5[%add3A_221, %dma_start3A] : memref<104x128xi32, #tpu.memory_space<vmem>> -> memref<1x128xi32, #tpu.memory_space<vmem>>
        %dma_start3A_223 = tpu.memref_squeeze %dma_start3A_222 : memref<1x128xi32, #tpu.memory_space<vmem>> -> memref<128xi32, #tpu.memory_space<vmem>>
        %dma_start3A_224 = arith.constant 0 : i32
        %dma_start3A_225 = tpu.memref_slice %arg11[%dma_start3A_224] : memref<10240xf32, #tpu.memory_space<vmem_shared>> -> memref<10240xf32, #tpu.memory_space<vmem_shared>>
        tpu.enqueue_indirect_dma source(%arg7 : memref<128xf32, #tpu.memory_space<vmem>>) target(%dma_start3A_225 : memref<10240xf32, #tpu.memory_space<vmem_shared>>) offsets(%dma_start3A_223 : memref<128xi32, #tpu.memory_space<vmem>>) semaphore(%arg10 : memref<!tpu.dma_semaphore, #tpu.memory_space<semaphore_mem>>) {add = true}
        %add3A_226 = arith.constant 1 : i32
        %add3A_227 = arith.addi %mul3A_219, %add3A_226 : i32
        %dma_start3A_228 = arith.constant 0 : i32
        %dma_start3A_229 = tpu.memref_slice %arg5[%add3A_227, %dma_start3A_228] : memref<104x128xi32, #tpu.memory_space<vmem>> -> memref<1x128xi32, #tpu.memory_space<vmem>>
        %dma_start3A_230 = tpu.memref_squeeze %dma_start3A_229 : memref<1x128xi32, #tpu.memory_space<vmem>> -> memref<128xi32, #tpu.memory_space<vmem>>
        %dma_start3A_231 = arith.constant 0 : i32
        %dma_start3A_232 = tpu.memref_slice %arg11[%dma_start3A_231] : memref<10240xf32, #tpu.memory_space<vmem_shared>> -> memref<10240xf32, #tpu.memory_space<vmem_shared>>
        tpu.enqueue_indirect_dma source(%arg7 : memref<128xf32, #tpu.memory_space<vmem>>) target(%dma_start3A_232 : memref<10240xf32, #tpu.memory_space<vmem_shared>>) offsets(%dma_start3A_230 : memref<128xi32, #tpu.memory_space<vmem>>) semaphore(%arg10 : memref<!tpu.dma_semaphore, #tpu.memory_space<semaphore_mem>>) {add = true}
        %add3A_233 = arith.constant 2 : i32
        %add3A_234 = arith.addi %mul3A_219, %add3A_233 : i32
        %dma_start3A_235 = arith.constant 0 : i32
        %dma_start3A_236 = tpu.memref_slice %arg5[%add3A_234, %dma_start3A_235] : memref<104x128xi32, #tpu.memory_space<vmem>> -> memref<1x128xi32, #tpu.memory_space<vmem>>
        %dma_start3A_237 = tpu.memref_squeeze %dma_start3A_236 : memref<1x128xi32, #tpu.memory_space<vmem>> -> memref<128xi32, #tpu.memory_space<vmem>>
        %dma_start3A_238 = arith.constant 0 : i32
        %dma_start3A_239 = tpu.memref_slice %arg11[%dma_start3A_238] : memref<10240xf32, #tpu.memory_space<vmem_shared>> -> memref<10240xf32, #tpu.memory_space<vmem_shared>>
        tpu.enqueue_indirect_dma source(%arg7 : memref<128xf32, #tpu.memory_space<vmem>>) target(%dma_start3A_239 : memref<10240xf32, #tpu.memory_space<vmem_shared>>) offsets(%dma_start3A_237 : memref<128xi32, #tpu.memory_space<vmem>>) semaphore(%arg10 : memref<!tpu.dma_semaphore, #tpu.memory_space<semaphore_mem>>) {add = true}
        %add3A_240 = arith.constant 3 : i32
        %add3A_241 = arith.addi %mul3A_219, %add3A_240 : i32
        %dma_start3A_242 = arith.constant 0 : i32
        %dma_start3A_243 = tpu.memref_slice %arg5[%add3A_241, %dma_start3A_242] : memref<104x128xi32, #tpu.memory_space<vmem>> -> memref<1x128xi32, #tpu.memory_space<vmem>>
        %dma_start3A_244 = tpu.memref_squeeze %dma_start3A_243 : memref<1x128xi32, #tpu.memory_space<vmem>> -> memref<128xi32, #tpu.memory_space<vmem>>
        %dma_start3A_245 = arith.constant 0 : i32
        %dma_start3A_246 = tpu.memref_slice %arg11[%dma_start3A_245] : memref<10240xf32, #tpu.memory_space<vmem_shared>> -> memref<10240xf32, #tpu.memory_space<vmem_shared>>
        tpu.enqueue_indirect_dma source(%arg7 : memref<128xf32, #tpu.memory_space<vmem>>) target(%dma_start3A_246 : memref<10240xf32, #tpu.memory_space<vmem_shared>>) offsets(%dma_start3A_244 : memref<128xi32, #tpu.memory_space<vmem>>) semaphore(%arg10 : memref<!tpu.dma_semaphore, #tpu.memory_space<semaphore_mem>>) {add = true}
        %add3A_247 = arith.constant 4 : i32
        %add3A_248 = arith.addi %mul3A_219, %add3A_247 : i32
        %dma_start3A_249 = arith.constant 0 : i32
        %dma_start3A_250 = tpu.memref_slice %arg5[%add3A_248, %dma_start3A_249] : memref<104x128xi32, #tpu.memory_space<vmem>> -> memref<1x128xi32, #tpu.memory_space<vmem>>
        %dma_start3A_251 = tpu.memref_squeeze %dma_start3A_250 : memref<1x128xi32, #tpu.memory_space<vmem>> -> memref<128xi32, #tpu.memory_space<vmem>>
        %dma_start3A_252 = arith.constant 0 : i32
        %dma_start3A_253 = tpu.memref_slice %arg11[%dma_start3A_252] : memref<10240xf32, #tpu.memory_space<vmem_shared>> -> memref<10240xf32, #tpu.memory_space<vmem_shared>>
        tpu.enqueue_indirect_dma source(%arg7 : memref<128xf32, #tpu.memory_space<vmem>>) target(%dma_start3A_253 : memref<10240xf32, #tpu.memory_space<vmem_shared>>) offsets(%dma_start3A_251 : memref<128xi32, #tpu.memory_space<vmem>>) semaphore(%arg10 : memref<!tpu.dma_semaphore, #tpu.memory_space<semaphore_mem>>) {add = true}
        %add3A_254 = arith.constant 5 : i32
        %add3A_255 = arith.addi %mul3A_219, %add3A_254 : i32
        %dma_start3A_256 = arith.constant 0 : i32
        %dma_start3A_257 = tpu.memref_slice %arg5[%add3A_255, %dma_start3A_256] : memref<104x128xi32, #tpu.memory_space<vmem>> -> memref<1x128xi32, #tpu.memory_space<vmem>>
        %dma_start3A_258 = tpu.memref_squeeze %dma_start3A_257 : memref<1x128xi32, #tpu.memory_space<vmem>> -> memref<128xi32, #tpu.memory_space<vmem>>
        %dma_start3A_259 = arith.constant 0 : i32
        %dma_start3A_260 = tpu.memref_slice %arg11[%dma_start3A_259] : memref<10240xf32, #tpu.memory_space<vmem_shared>> -> memref<10240xf32, #tpu.memory_space<vmem_shared>>
        tpu.enqueue_indirect_dma source(%arg7 : memref<128xf32, #tpu.memory_space<vmem>>) target(%dma_start3A_260 : memref<10240xf32, #tpu.memory_space<vmem_shared>>) offsets(%dma_start3A_258 : memref<128xi32, #tpu.memory_space<vmem>>) semaphore(%arg10 : memref<!tpu.dma_semaphore, #tpu.memory_space<semaphore_mem>>) {add = true}
        %add3A_261 = arith.constant 6 : i32
        %add3A_262 = arith.addi %mul3A_219, %add3A_261 : i32
        %dma_start3A_263 = arith.constant 0 : i32
        %dma_start3A_264 = tpu.memref_slice %arg5[%add3A_262, %dma_start3A_263] : memref<104x128xi32, #tpu.memory_space<vmem>> -> memref<1x128xi32, #tpu.memory_space<vmem>>
        %dma_start3A_265 = tpu.memref_squeeze %dma_start3A_264 : memref<1x128xi32, #tpu.memory_space<vmem>> -> memref<128xi32, #tpu.memory_space<vmem>>
        %dma_start3A_266 = arith.constant 0 : i32
        %dma_start3A_267 = tpu.memref_slice %arg11[%dma_start3A_266] : memref<10240xf32, #tpu.memory_space<vmem_shared>> -> memref<10240xf32, #tpu.memory_space<vmem_shared>>
        tpu.enqueue_indirect_dma source(%arg7 : memref<128xf32, #tpu.memory_space<vmem>>) target(%dma_start3A_267 : memref<10240xf32, #tpu.memory_space<vmem_shared>>) offsets(%dma_start3A_265 : memref<128xi32, #tpu.memory_space<vmem>>) semaphore(%arg10 : memref<!tpu.dma_semaphore, #tpu.memory_space<semaphore_mem>>) {add = true}
        %add3A_268 = arith.constant 7 : i32
        %add3A_269 = arith.addi %mul3A_219, %add3A_268 : i32
        %dma_start3A_270 = arith.constant 0 : i32
        %dma_start3A_271 = tpu.memref_slice %arg5[%add3A_269, %dma_start3A_270] : memref<104x128xi32, #tpu.memory_space<vmem>> -> memref<1x128xi32, #tpu.memory_space<vmem>>
        %dma_start3A_272 = tpu.memref_squeeze %dma_start3A_271 : memref<1x128xi32, #tpu.memory_space<vmem>> -> memref<128xi32, #tpu.memory_space<vmem>>
        %dma_start3A_273 = arith.constant 0 : i32
        %dma_start3A_274 = tpu.memref_slice %arg11[%dma_start3A_273] : memref<10240xf32, #tpu.memory_space<vmem_shared>> -> memref<10240xf32, #tpu.memory_space<vmem_shared>>
        tpu.enqueue_indirect_dma source(%arg7 : memref<128xf32, #tpu.memory_space<vmem>>) target(%dma_start3A_274 : memref<10240xf32, #tpu.memory_space<vmem_shared>>) offsets(%dma_start3A_272 : memref<128xi32, #tpu.memory_space<vmem>>) semaphore(%arg10 : memref<!tpu.dma_semaphore, #tpu.memory_space<semaphore_mem>>) {add = true}
        %dma_wait3A = arith.constant 0 : i32
        %dma_wait3A_275 = arith.constant 0 : i32
        %dma_wait3A_276 = tpu.memref_slice %arg5[%dma_wait3A, %dma_wait3A_275] : memref<104x128xi32, #tpu.memory_space<vmem>> -> memref<1x128xi32, #tpu.memory_space<vmem>>
        %dma_wait3A_277 = tpu.memref_squeeze %dma_wait3A_276 : memref<1x128xi32, #tpu.memory_space<vmem>> -> memref<128xi32, #tpu.memory_space<vmem>>
        %dma_wait3A_278 = arith.constant 0 : i32
        %dma_wait3A_279 = tpu.memref_slice %arg11[%dma_wait3A_278] : memref<10240xf32, #tpu.memory_space<vmem_shared>> -> memref<10240xf32, #tpu.memory_space<vmem_shared>>
        tpu.wait_indirect_dma semaphore(%arg10 : memref<!tpu.dma_semaphore, #tpu.memory_space<semaphore_mem>>) src(%arg7 : memref<128xf32, #tpu.memory_space<vmem>>) dst(%dma_wait3A_279 : memref<10240xf32, #tpu.memory_space<vmem_shared>>)
        %dma_wait3A_280 = arith.constant 0 : i32
        %dma_wait3A_281 = arith.constant 0 : i32
        %dma_wait3A_282 = tpu.memref_slice %arg5[%dma_wait3A_280, %dma_wait3A_281] : memref<104x128xi32, #tpu.memory_space<vmem>> -> memref<1x128xi32, #tpu.memory_space<vmem>>
        %dma_wait3A_283 = tpu.memref_squeeze %dma_wait3A_282 : memref<1x128xi32, #tpu.memory_space<vmem>> -> memref<128xi32, #tpu.memory_space<vmem>>
        %dma_wait3A_284 = arith.constant 0 : i32
        %dma_wait3A_285 = tpu.memref_slice %arg11[%dma_wait3A_284] : memref<10240xf32, #tpu.memory_space<vmem_shared>> -> memref<10240xf32, #tpu.memory_space<vmem_shared>>
        tpu.wait_indirect_dma semaphore(%arg10 : memref<!tpu.dma_semaphore, #tpu.memory_space<semaphore_mem>>) src(%arg7 : memref<128xf32, #tpu.memory_space<vmem>>) dst(%dma_wait3A_285 : memref<10240xf32, #tpu.memory_space<vmem_shared>>)
        %dma_wait3A_286 = arith.constant 0 : i32
        %dma_wait3A_287 = arith.constant 0 : i32
        %dma_wait3A_288 = tpu.memref_slice %arg5[%dma_wait3A_286, %dma_wait3A_287] : memref<104x128xi32, #tpu.memory_space<vmem>> -> memref<1x128xi32, #tpu.memory_space<vmem>>
        %dma_wait3A_289 = tpu.memref_squeeze %dma_wait3A_288 : memref<1x128xi32, #tpu.memory_space<vmem>> -> memref<128xi32, #tpu.memory_space<vmem>>
        %dma_wait3A_290 = arith.constant 0 : i32
        %dma_wait3A_291 = tpu.memref_slice %arg11[%dma_wait3A_290] : memref<10240xf32, #tpu.memory_space<vmem_shared>> -> memref<10240xf32, #tpu.memory_space<vmem_shared>>
        tpu.wait_indirect_dma semaphore(%arg10 : memref<!tpu.dma_semaphore, #tpu.memory_space<semaphore_mem>>) src(%arg7 : memref<128xf32, #tpu.memory_space<vmem>>) dst(%dma_wait3A_291 : memref<10240xf32, #tpu.memory_space<vmem_shared>>)
        %dma_wait3A_292 = arith.constant 0 : i32
        %dma_wait3A_293 = arith.constant 0 : i32
        %dma_wait3A_294 = tpu.memref_slice %arg5[%dma_wait3A_292, %dma_wait3A_293] : memref<104x128xi32, #tpu.memory_space<vmem>> -> memref<1x128xi32, #tpu.memory_space<vmem>>
        %dma_wait3A_295 = tpu.memref_squeeze %dma_wait3A_294 : memref<1x128xi32, #tpu.memory_space<vmem>> -> memref<128xi32, #tpu.memory_space<vmem>>
        %dma_wait3A_296 = arith.constant 0 : i32
        %dma_wait3A_297 = tpu.memref_slice %arg11[%dma_wait3A_296] : memref<10240xf32, #tpu.memory_space<vmem_shared>> -> memref<10240xf32, #tpu.memory_space<vmem_shared>>
        tpu.wait_indirect_dma semaphore(%arg10 : memref<!tpu.dma_semaphore, #tpu.memory_space<semaphore_mem>>) src(%arg7 : memref<128xf32, #tpu.memory_space<vmem>>) dst(%dma_wait3A_297 : memref<10240xf32, #tpu.memory_space<vmem_shared>>)
        %dma_wait3A_298 = arith.constant 0 : i32
        %dma_wait3A_299 = arith.constant 0 : i32
        %dma_wait3A_300 = tpu.memref_slice %arg5[%dma_wait3A_298, %dma_wait3A_299] : memref<104x128xi32, #tpu.memory_space<vmem>> -> memref<1x128xi32, #tpu.memory_space<vmem>>
        %dma_wait3A_301 = tpu.memref_squeeze %dma_wait3A_300 : memref<1x128xi32, #tpu.memory_space<vmem>> -> memref<128xi32, #tpu.memory_space<vmem>>
        %dma_wait3A_302 = arith.constant 0 : i32
        %dma_wait3A_303 = tpu.memref_slice %arg11[%dma_wait3A_302] : memref<10240xf32, #tpu.memory_space<vmem_shared>> -> memref<10240xf32, #tpu.memory_space<vmem_shared>>
        tpu.wait_indirect_dma semaphore(%arg10 : memref<!tpu.dma_semaphore, #tpu.memory_space<semaphore_mem>>) src(%arg7 : memref<128xf32, #tpu.memory_space<vmem>>) dst(%dma_wait3A_303 : memref<10240xf32, #tpu.memory_space<vmem_shared>>)
        %dma_wait3A_304 = arith.constant 0 : i32
        %dma_wait3A_305 = arith.constant 0 : i32
        %dma_wait3A_306 = tpu.memref_slice %arg5[%dma_wait3A_304, %dma_wait3A_305] : memref<104x128xi32, #tpu.memory_space<vmem>> -> memref<1x128xi32, #tpu.memory_space<vmem>>
        %dma_wait3A_307 = tpu.memref_squeeze %dma_wait3A_306 : memref<1x128xi32, #tpu.memory_space<vmem>> -> memref<128xi32, #tpu.memory_space<vmem>>
        %dma_wait3A_308 = arith.constant 0 : i32
        %dma_wait3A_309 = tpu.memref_slice %arg11[%dma_wait3A_308] : memref<10240xf32, #tpu.memory_space<vmem_shared>> -> memref<10240xf32, #tpu.memory_space<vmem_shared>>
        tpu.wait_indirect_dma semaphore(%arg10 : memref<!tpu.dma_semaphore, #tpu.memory_space<semaphore_mem>>) src(%arg7 : memref<128xf32, #tpu.memory_space<vmem>>) dst(%dma_wait3A_309 : memref<10240xf32, #tpu.memory_space<vmem_shared>>)
        %dma_wait3A_310 = arith.constant 0 : i32
        %dma_wait3A_311 = arith.constant 0 : i32
        %dma_wait3A_312 = tpu.memref_slice %arg5[%dma_wait3A_310, %dma_wait3A_311] : memref<104x128xi32, #tpu.memory_space<vmem>> -> memref<1x128xi32, #tpu.memory_space<vmem>>
        %dma_wait3A_313 = tpu.memref_squeeze %dma_wait3A_312 : memref<1x128xi32, #tpu.memory_space<vmem>> -> memref<128xi32, #tpu.memory_space<vmem>>
        %dma_wait3A_314 = arith.constant 0 : i32
        %dma_wait3A_315 = tpu.memref_slice %arg11[%dma_wait3A_314] : memref<10240xf32, #tpu.memory_space<vmem_shared>> -> memref<10240xf32, #tpu.memory_space<vmem_shared>>
        tpu.wait_indirect_dma semaphore(%arg10 : memref<!tpu.dma_semaphore, #tpu.memory_space<semaphore_mem>>) src(%arg7 : memref<128xf32, #tpu.memory_space<vmem>>) dst(%dma_wait3A_315 : memref<10240xf32, #tpu.memory_space<vmem_shared>>)
        %dma_wait3A_316 = arith.constant 0 : i32
        %dma_wait3A_317 = arith.constant 0 : i32
        %dma_wait3A_318 = tpu.memref_slice %arg5[%dma_wait3A_316, %dma_wait3A_317] : memref<104x128xi32, #tpu.memory_space<vmem>> -> memref<1x128xi32, #tpu.memory_space<vmem>>
        %dma_wait3A_319 = tpu.memref_squeeze %dma_wait3A_318 : memref<1x128xi32, #tpu.memory_space<vmem>> -> memref<128xi32, #tpu.memory_space<vmem>>
        %dma_wait3A_320 = arith.constant 0 : i32
        %dma_wait3A_321 = tpu.memref_slice %arg11[%dma_wait3A_320] : memref<10240xf32, #tpu.memory_space<vmem_shared>> -> memref<10240xf32, #tpu.memory_space<vmem_shared>>
        tpu.wait_indirect_dma semaphore(%arg10 : memref<!tpu.dma_semaphore, #tpu.memory_space<semaphore_mem>>) src(%arg7 : memref<128xf32, #tpu.memory_space<vmem>>) dst(%dma_wait3A_321 : memref<10240xf32, #tpu.memory_space<vmem_shared>>)
      }
      %scan3A_216 = arith.constant 13 : i32
    } else {
    }
    %eq3A = arith.constant 24 : i32
    %eq3A_204 = arith.cmpi eq, %add3A, %eq3A : i32
    %convert_element_type3A_205 = arith.extui %eq3A_204 : i1 to i32
    %cond3A_206 = arith.constant 0 : i32
    %cond3A_207 = arith.cmpi ne, %convert_element_type3A_205, %cond3A_206 : i32
    scf.if %cond3A_207 {
      "tpu.region"() ({
        %run_scoped3A = tpu.sem_alloc : memref<!tpu.dma_semaphore, #tpu.memory_space<semaphore_mem>>
        %dma_start3A = arith.constant 0 : i32
        %dma_start3A_213 = tpu.memref_slice %arg3[%dma_start3A] : memref<512xi32, #tpu.memory_space<hbm>> -> memref<128xi32, #tpu.memory_space<hbm>>
        %dma_start3A_214 = arith.constant 0 : i32
        %dma_start3A_215 = tpu.memref_slice %arg3[%dma_start3A_214] : memref<512xi32, #tpu.memory_space<hbm>> -> memref<128xi32, #tpu.memory_space<hbm>>
        tpu.enqueue_dma source(%dma_start3A_215 : memref<128xi32, #tpu.memory_space<hbm>>) target(%arg6 : memref<128xi32, #tpu.memory_space<vmem>>) target_semaphore(%run_scoped3A : memref<!tpu.dma_semaphore, #tpu.memory_space<semaphore_mem>>)
        %dma_wait3A = arith.constant 0 : i32
        %dma_wait3A_216 = tpu.memref_slice %arg3[%dma_wait3A] : memref<512xi32, #tpu.memory_space<hbm>> -> memref<128xi32, #tpu.memory_space<hbm>>
        %dma_wait3A_217 = arith.constant 0 : i32
        %dma_wait3A_218 = tpu.memref_slice %arg3[%dma_wait3A_217] : memref<512xi32, #tpu.memory_space<hbm>> -> memref<128xi32, #tpu.memory_space<hbm>>
        tpu.wait_dma2 semaphore(%run_scoped3A : memref<!tpu.dma_semaphore, #tpu.memory_space<semaphore_mem>>) src(%dma_wait3A_218 : memref<128xi32, #tpu.memory_space<hbm>>) dst(%arg6 : memref<128xi32, #tpu.memory_space<vmem>>)
        tpu.yield
      }) : () -> ()
      "tpu.region"() ({
        %run_scoped3A = tpu.sem_alloc : memref<!tpu.dma_semaphore, #tpu.memory_space<semaphore_mem>>
        %dma_start3A = arith.constant 0 : i32
        %dma_start3A_213 = tpu.memref_slice %arg11[%dma_start3A] : memref<10240xf32, #tpu.memory_space<vmem_shared>> -> memref<10240xf32, #tpu.memory_space<vmem_shared>>
        tpu.enqueue_indirect_dma source(%arg7 : memref<128xf32, #tpu.memory_space<vmem>>) target(%dma_start3A_213 : memref<10240xf32, #tpu.memory_space<vmem_shared>>) offsets(%arg6 : memref<128xi32, #tpu.memory_space<vmem>>) semaphore(%run_scoped3A : memref<!tpu.dma_semaphore, #tpu.memory_space<semaphore_mem>>) {add = true}
        %dma_wait3A = arith.constant 0 : i32
        %dma_wait3A_214 = tpu.memref_slice %arg11[%dma_wait3A] : memref<10240xf32, #tpu.memory_space<vmem_shared>> -> memref<10240xf32, #tpu.memory_space<vmem_shared>>
        tpu.wait_indirect_dma semaphore(%run_scoped3A : memref<!tpu.dma_semaphore, #tpu.memory_space<semaphore_mem>>) src(%arg7 : memref<128xf32, #tpu.memory_space<vmem>>) dst(%dma_wait3A_214 : memref<10240xf32, #tpu.memory_space<vmem_shared>>)
        tpu.yield
      }) : () -> ()
      "tpu.region"() ({
        %run_scoped3A = tpu.sem_alloc : memref<!tpu.dma_semaphore, #tpu.memory_space<semaphore_mem>>
        %dma_start3A = arith.constant 128 : i32
        %dma_start3A_213 = tpu.memref_slice %arg3[%dma_start3A] : memref<512xi32, #tpu.memory_space<hbm>> -> memref<128xi32, #tpu.memory_space<hbm>>
        %dma_start3A_214 = arith.constant 128 : i32
        %dma_start3A_215 = tpu.memref_slice %arg3[%dma_start3A_214] : memref<512xi32, #tpu.memory_space<hbm>> -> memref<128xi32, #tpu.memory_space<hbm>>
        tpu.enqueue_dma source(%dma_start3A_215 : memref<128xi32, #tpu.memory_space<hbm>>) target(%arg6 : memref<128xi32, #tpu.memory_space<vmem>>) target_semaphore(%run_scoped3A : memref<!tpu.dma_semaphore, #tpu.memory_space<semaphore_mem>>)
        %dma_wait3A = arith.constant 128 : i32
        %dma_wait3A_216 = tpu.memref_slice %arg3[%dma_wait3A] : memref<512xi32, #tpu.memory_space<hbm>> -> memref<128xi32, #tpu.memory_space<hbm>>
        %dma_wait3A_217 = arith.constant 128 : i32
        %dma_wait3A_218 = tpu.memref_slice %arg3[%dma_wait3A_217] : memref<512xi32, #tpu.memory_space<hbm>> -> memref<128xi32, #tpu.memory_space<hbm>>
        tpu.wait_dma2 semaphore(%run_scoped3A : memref<!tpu.dma_semaphore, #tpu.memory_space<semaphore_mem>>) src(%dma_wait3A_218 : memref<128xi32, #tpu.memory_space<hbm>>) dst(%arg6 : memref<128xi32, #tpu.memory_space<vmem>>)
        tpu.yield
      }) : () -> ()
      "tpu.region"() ({
        %run_scoped3A = tpu.sem_alloc : memref<!tpu.dma_semaphore, #tpu.memory_space<semaphore_mem>>
        %dma_start3A = arith.constant 0 : i32
        %dma_start3A_213 = tpu.memref_slice %arg11[%dma_start3A] : memref<10240xf32, #tpu.memory_space<vmem_shared>> -> memref<10240xf32, #tpu.memory_space<vmem_shared>>
        tpu.enqueue_indirect_dma source(%arg7 : memref<128xf32, #tpu.memory_space<vmem>>) target(%dma_start3A_213 : memref<10240xf32, #tpu.memory_space<vmem_shared>>) offsets(%arg6 : memref<128xi32, #tpu.memory_space<vmem>>) semaphore(%run_scoped3A : memref<!tpu.dma_semaphore, #tpu.memory_space<semaphore_mem>>) {add = true}
        %dma_wait3A = arith.constant 0 : i32
        %dma_wait3A_214 = tpu.memref_slice %arg11[%dma_wait3A] : memref<10240xf32, #tpu.memory_space<vmem_shared>> -> memref<10240xf32, #tpu.memory_space<vmem_shared>>
        tpu.wait_indirect_dma semaphore(%run_scoped3A : memref<!tpu.dma_semaphore, #tpu.memory_space<semaphore_mem>>) src(%arg7 : memref<128xf32, #tpu.memory_space<vmem>>) dst(%dma_wait3A_214 : memref<10240xf32, #tpu.memory_space<vmem_shared>>)
        tpu.yield
      }) : () -> ()
      "tpu.region"() ({
        %run_scoped3A = tpu.sem_alloc : memref<!tpu.dma_semaphore, #tpu.memory_space<semaphore_mem>>
        %dma_start3A = arith.constant 256 : i32
        %dma_start3A_213 = tpu.memref_slice %arg3[%dma_start3A] : memref<512xi32, #tpu.memory_space<hbm>> -> memref<128xi32, #tpu.memory_space<hbm>>
        %dma_start3A_214 = arith.constant 256 : i32
        %dma_start3A_215 = tpu.memref_slice %arg3[%dma_start3A_214] : memref<512xi32, #tpu.memory_space<hbm>> -> memref<128xi32, #tpu.memory_space<hbm>>
        tpu.enqueue_dma source(%dma_start3A_215 : memref<128xi32, #tpu.memory_space<hbm>>) target(%arg6 : memref<128xi32, #tpu.memory_space<vmem>>) target_semaphore(%run_scoped3A : memref<!tpu.dma_semaphore, #tpu.memory_space<semaphore_mem>>)
        %dma_wait3A = arith.constant 256 : i32
        %dma_wait3A_216 = tpu.memref_slice %arg3[%dma_wait3A] : memref<512xi32, #tpu.memory_space<hbm>> -> memref<128xi32, #tpu.memory_space<hbm>>
        %dma_wait3A_217 = arith.constant 256 : i32
        %dma_wait3A_218 = tpu.memref_slice %arg3[%dma_wait3A_217] : memref<512xi32, #tpu.memory_space<hbm>> -> memref<128xi32, #tpu.memory_space<hbm>>
        tpu.wait_dma2 semaphore(%run_scoped3A : memref<!tpu.dma_semaphore, #tpu.memory_space<semaphore_mem>>) src(%dma_wait3A_218 : memref<128xi32, #tpu.memory_space<hbm>>) dst(%arg6 : memref<128xi32, #tpu.memory_space<vmem>>)
        tpu.yield
      }) : () -> ()
      "tpu.region"() ({
        %run_scoped3A = tpu.sem_alloc : memref<!tpu.dma_semaphore, #tpu.memory_space<semaphore_mem>>
        %dma_start3A = arith.constant 0 : i32
        %dma_start3A_213 = tpu.memref_slice %arg11[%dma_start3A] : memref<10240xf32, #tpu.memory_space<vmem_shared>> -> memref<10240xf32, #tpu.memory_space<vmem_shared>>
        tpu.enqueue_indirect_dma source(%arg7 : memref<128xf32, #tpu.memory_space<vmem>>) target(%dma_start3A_213 : memref<10240xf32, #tpu.memory_space<vmem_shared>>) offsets(%arg6 : memref<128xi32, #tpu.memory_space<vmem>>) semaphore(%run_scoped3A : memref<!tpu.dma_semaphore, #tpu.memory_space<semaphore_mem>>) {add = true}
        %dma_wait3A = arith.constant 0 : i32
        %dma_wait3A_214 = tpu.memref_slice %arg11[%dma_wait3A] : memref<10240xf32, #tpu.memory_space<vmem_shared>> -> memref<10240xf32, #tpu.memory_space<vmem_shared>>
        tpu.wait_indirect_dma semaphore(%run_scoped3A : memref<!tpu.dma_semaphore, #tpu.memory_space<semaphore_mem>>) src(%arg7 : memref<128xf32, #tpu.memory_space<vmem>>) dst(%dma_wait3A_214 : memref<10240xf32, #tpu.memory_space<vmem_shared>>)
        tpu.yield
      }) : () -> ()
      "tpu.region"() ({
        %run_scoped3A = tpu.sem_alloc : memref<!tpu.dma_semaphore, #tpu.memory_space<semaphore_mem>>
        %dma_start3A = arith.constant 384 : i32
        %dma_start3A_213 = tpu.memref_slice %arg3[%dma_start3A] : memref<512xi32, #tpu.memory_space<hbm>> -> memref<128xi32, #tpu.memory_space<hbm>>
        %dma_start3A_214 = arith.constant 384 : i32
        %dma_start3A_215 = tpu.memref_slice %arg3[%dma_start3A_214] : memref<512xi32, #tpu.memory_space<hbm>> -> memref<128xi32, #tpu.memory_space<hbm>>
        tpu.enqueue_dma source(%dma_start3A_215 : memref<128xi32, #tpu.memory_space<hbm>>) target(%arg6 : memref<128xi32, #tpu.memory_space<vmem>>) target_semaphore(%run_scoped3A : memref<!tpu.dma_semaphore, #tpu.memory_space<semaphore_mem>>)
        %dma_wait3A = arith.constant 384 : i32
        %dma_wait3A_216 = tpu.memref_slice %arg3[%dma_wait3A] : memref<512xi32, #tpu.memory_space<hbm>> -> memref<128xi32, #tpu.memory_space<hbm>>
        %dma_wait3A_217 = arith.constant 384 : i32
        %dma_wait3A_218 = tpu.memref_slice %arg3[%dma_wait3A_217] : memref<512xi32, #tpu.memory_space<hbm>> -> memref<128xi32, #tpu.memory_space<hbm>>
        tpu.wait_dma2 semaphore(%run_scoped3A : memref<!tpu.dma_semaphore, #tpu.memory_space<semaphore_mem>>) src(%dma_wait3A_218 : memref<128xi32, #tpu.memory_space<hbm>>) dst(%arg6 : memref<128xi32, #tpu.memory_space<vmem>>)
        tpu.yield
      }) : () -> ()
      "tpu.region"() ({
        %run_scoped3A = tpu.sem_alloc : memref<!tpu.dma_semaphore, #tpu.memory_space<semaphore_mem>>
        %dma_start3A = arith.constant 0 : i32
        %dma_start3A_213 = tpu.memref_slice %arg11[%dma_start3A] : memref<10240xf32, #tpu.memory_space<vmem_shared>> -> memref<10240xf32, #tpu.memory_space<vmem_shared>>
        tpu.enqueue_indirect_dma source(%arg7 : memref<128xf32, #tpu.memory_space<vmem>>) target(%dma_start3A_213 : memref<10240xf32, #tpu.memory_space<vmem_shared>>) offsets(%arg6 : memref<128xi32, #tpu.memory_space<vmem>>) semaphore(%run_scoped3A : memref<!tpu.dma_semaphore, #tpu.memory_space<semaphore_mem>>) {add = true}
        %dma_wait3A = arith.constant 0 : i32
        %dma_wait3A_214 = tpu.memref_slice %arg11[%dma_wait3A] : memref<10240xf32, #tpu.memory_space<vmem_shared>> -> memref<10240xf32, #tpu.memory_space<vmem_shared>>
        tpu.wait_indirect_dma semaphore(%run_scoped3A : memref<!tpu.dma_semaphore, #tpu.memory_space<semaphore_mem>>) src(%arg7 : memref<128xf32, #tpu.memory_space<vmem>>) dst(%dma_wait3A_214 : memref<10240xf32, #tpu.memory_space<vmem_shared>>)
        tpu.yield
      }) : () -> ()
    } else {
    }
    %barrier3A_208 = arith.constant 0 : index
    tpu.barrier barrier_id(%barrier3A_208)
    %mul3A_209 = arith.constant 640 : i32
    %mul3A_210 = arith.muli %arg1, %mul3A_209 : i32
    %mul3A_211 = arith.constant 640 : i32
    %mul3A_212 = arith.muli %arg1, %mul3A_211 : i32
    "tpu.region"() ({
      %run_scoped3A = tpu.sem_alloc : memref<!tpu.dma_semaphore, #tpu.memory_space<semaphore_mem>>
      %dma_start3A = tpu.memref_slice %arg4[%arg0, %mul3A_212] : memref<2x10240xf32, #tpu.memory_space<hbm>> -> memref<1x640xf32, #tpu.memory_space<hbm>>
      %dma_start3A_213 = tpu.memref_squeeze %dma_start3A : memref<1x640xf32, #tpu.memory_space<hbm>> -> memref<640xf32, #tpu.memory_space<hbm>>
      %dma_start3A_214 = tpu.memref_slice %arg11[%mul3A_210] : memref<10240xf32, #tpu.memory_space<vmem_shared>> -> memref<640xf32, #tpu.memory_space<vmem_shared>>
      tpu.enqueue_dma source(%dma_start3A_214 : memref<640xf32, #tpu.memory_space<vmem_shared>>) target(%dma_start3A_213 : memref<640xf32, #tpu.memory_space<hbm>>) target_semaphore(%run_scoped3A : memref<!tpu.dma_semaphore, #tpu.memory_space<semaphore_mem>>)
      %dma_wait3A = tpu.memref_slice %arg4[%arg0, %mul3A_212] : memref<2x10240xf32, #tpu.memory_space<hbm>> -> memref<1x640xf32, #tpu.memory_space<hbm>>
      %dma_wait3A_215 = tpu.memref_squeeze %dma_wait3A : memref<1x640xf32, #tpu.memory_space<hbm>> -> memref<640xf32, #tpu.memory_space<hbm>>
      %dma_wait3A_216 = tpu.memref_slice %arg11[%mul3A_210] : memref<10240xf32, #tpu.memory_space<vmem_shared>> -> memref<640xf32, #tpu.memory_space<vmem_shared>>
      tpu.wait_dma2 semaphore(%run_scoped3A : memref<!tpu.dma_semaphore, #tpu.memory_space<semaphore_mem>>) src(%dma_wait3A_216 : memref<640xf32, #tpu.memory_space<vmem_shared>>) dst(%dma_wait3A_215 : memref<640xf32, #tpu.memory_space<hbm>>)
      tpu.yield
    }) : () -> ()
    return
  }
}

module attributes {stable_mosaic.version = 14 : i64} {
  func.func @_out_body(%arg0: i32, %arg1: memref<2x2048x128xf32, #tpu.memory_space<vmem>>, %arg2: memref<2048x128xf32, #tpu.memory_space<vmem>>, %arg3: memref<2x2048x1xf32, #tpu.memory_space<vmem>>, %arg4: memref<1x128xf32, #tpu.memory_space<vmem>>, %arg5: memref<1x1xf32, #tpu.memory_space<vmem>>, %arg6: memref<2048x128xf32, #tpu.memory_space<vmem>>) attributes {dimension_semantics = [#tpu.dimension_semantics<arbitrary>], iteration_bounds = array<i64: 5>, scalar_prefetch = 0 : i64, scratch_operands = 0 : i64, tpu.core_type = #tpu.core_type<tc>, window_params = [{transform_indices = @transform_0, window_bounds = array<i64: 2, 2048, 128>}, {transform_indices = @transform_1, window_bounds = array<i64: 2048, 128>}, {transform_indices = @transform_2, window_bounds = array<i64: 2, 2048, 1>}, {pipeline_mode = #tpu.pipeline_mode<synchronous>, transform_indices = @transform_3, window_bounds = array<i64: 1, 128>}, {pipeline_mode = #tpu.pipeline_mode<synchronous>, transform_indices = @transform_4, window_bounds = array<i64: 1, 1>}, {transform_indices = @transform_5, window_bounds = array<i64: 2048, 128>}]} {
    %get3A = arith.constant 0 : index
    %get3A_0 = arith.constant 0 : index
    %get3A_1 = arith.constant 0 : index
    %get3A_2 = vector.load %arg1[%get3A, %get3A_0, %get3A_1] : memref<2x2048x128xf32, #tpu.memory_space<vmem>>, vector<1x2048x128xf32>
    %get3A_3 = vector.shape_cast %get3A_2 : vector<1x2048x128xf32> to vector<2048x128xf32>
    %get3A_4 = arith.constant 1 : index
    %get3A_5 = arith.constant 0 : index
    %get3A_6 = arith.constant 0 : index
    %get3A_7 = vector.load %arg1[%get3A_4, %get3A_5, %get3A_6] : memref<2x2048x128xf32, #tpu.memory_space<vmem>>, vector<1x2048x128xf32>
    %get3A_8 = vector.shape_cast %get3A_7 : vector<1x2048x128xf32> to vector<2048x128xf32>
    %add3A = arith.addf %get3A_3, %get3A_8 : vector<2048x128xf32>
    %get3A_9 = arith.constant 0 : index
    %get3A_10 = arith.constant 0 : index
    %get3A_11 = vector.load %arg2[%get3A_9, %get3A_10] : memref<2048x128xf32, #tpu.memory_space<vmem>>, vector<2048x128xf32>
    %add3A_12 = arith.addf %add3A, %get3A_11 : vector<2048x128xf32>
    %get3A_13 = arith.constant 0 : index
    %get3A_14 = arith.constant 0 : index
    %get3A_15 = arith.constant 0 : index
    %get3A_16 = vector.load %arg3[%get3A_13, %get3A_14, %get3A_15] : memref<2x2048x1xf32, #tpu.memory_space<vmem>>, vector<1x2048x1xf32>
    %get3A_17 = vector.shape_cast %get3A_16 : vector<1x2048x1xf32> to vector<2048x1xf32>
    %get3A_18 = arith.constant 1 : index
    %get3A_19 = arith.constant 0 : index
    %get3A_20 = arith.constant 0 : index
    %get3A_21 = vector.load %arg3[%get3A_18, %get3A_19, %get3A_20] : memref<2x2048x1xf32, #tpu.memory_space<vmem>>, vector<1x2048x1xf32>
    %get3A_22 = vector.shape_cast %get3A_21 : vector<1x2048x1xf32> to vector<2048x1xf32>
    %add3A_23 = arith.addf %get3A_17, %get3A_22 : vector<2048x1xf32>
    %add3A_24 = arith.constant 1.000000e+00 : f32
    %add3A_25 = vector.broadcast %add3A_24 : f32 to vector<2048x1xf32>
    %add3A_26 = arith.addf %add3A_23, %add3A_25 : vector<2048x1xf32>
    %rsqrt3A = math.rsqrt %add3A_26 : vector<2048x1xf32>
    %mul3A = vector.broadcast %rsqrt3A : vector<2048x1xf32> to vector<2048x128xf32>
    %mul3A_27 = arith.mulf %add3A_12, %mul3A : vector<2048x128xf32>
    %get3A_28 = arith.constant 0 : index
    %get3A_29 = arith.constant 0 : index
    %get3A_30 = vector.load %arg4[%get3A_28, %get3A_29] : memref<1x128xf32, #tpu.memory_space<vmem>>, vector<1x128xf32>
    %add3A_31 = vector.broadcast %get3A_30 : vector<1x128xf32> to vector<2048x128xf32>
    %add3A_32 = arith.addf %mul3A_27, %add3A_31 : vector<2048x128xf32>
    %ge3A = arith.constant 0.000000e+00 : f32
    %ge3A_33 = vector.broadcast %ge3A : f32 to vector<2048x128xf32>
    %ge3A_34 = arith.cmpf oge, %add3A_32, %ge3A_33 : vector<2048x128xf32>
    %get3A_35 = arith.constant 0 : index
    %get3A_36 = arith.constant 0 : index
    %get3A_37 = vector.load %arg5[%get3A_35, %get3A_36] : memref<1x1xf32, #tpu.memory_space<vmem>>, vector<1x1xf32>
    %get3A_38 = vector.extract %get3A_37[0, 0] : f32 from vector<1x1xf32>
    %mul3A_39 = vector.broadcast %get3A_38 : f32 to vector<2048x128xf32>
    %mul3A_40 = arith.mulf %mul3A_39, %add3A_32 : vector<2048x128xf32>
    %select_n3A = arith.select %ge3A_34, %add3A_32, %mul3A_40 : vector<2048x128xi1>, vector<2048x128xf32>
    %swap3A = arith.constant 0 : index
    %swap3A_41 = arith.constant 0 : index
    %swap3A_42 = vector.load %arg6[%swap3A, %swap3A_41] : memref<2048x128xf32, #tpu.memory_space<vmem>>, vector<2048x128xf32>
    tpu.vector_store %arg6[%swap3A, %swap3A_41], %select_n3A {strides = array<i32>} : memref<2048x128xf32, #tpu.memory_space<vmem>>, vector<2048x128xf32>,
    return
  }
  func.func @transform_0(%arg0: i32) -> (i32, i32, i32) {
    %c0_i32 = arith.constant 0 : i32
    %c0_i32_0 = arith.constant 0 : i32
    %c0_i32_1 = arith.constant 0 : i32
    return %c0_i32, %arg0, %c0_i32_0 : i32, i32, i32
  }
  func.func @transform_1(%arg0: i32) -> (i32, i32) {
    %c0_i32 = arith.constant 0 : i32
    %c0_i32_0 = arith.constant 0 : i32
    return %arg0, %c0_i32 : i32, i32
  }
  func.func @transform_2(%arg0: i32) -> (i32, i32, i32) {
    %c0_i32 = arith.constant 0 : i32
    %c0_i32_0 = arith.constant 0 : i32
    %c0_i32_1 = arith.constant 0 : i32
    return %c0_i32, %arg0, %c0_i32_0 : i32, i32, i32
  }
  func.func @transform_3(%arg0: i32) -> (i32, i32) {
    %c0_i32 = arith.constant 0 : i32
    %c0_i32_0 = arith.constant 0 : i32
    %c0_i32_1 = arith.constant 0 : i32
    return %c0_i32, %c0_i32_0 : i32, i32
  }
  func.func @transform_4(%arg0: i32) -> (i32, i32) {
    %c0_i32 = arith.constant 0 : i32
    %c0_i32_0 = arith.constant 0 : i32
    %c0_i32_1 = arith.constant 0 : i32
    return %c0_i32, %c0_i32_0 : i32, i32
  }
  func.func @transform_5(%arg0: i32) -> (i32, i32) {
    %c0_i32 = arith.constant 0 : i32
    %c0_i32_0 = arith.constant 0 : i32
    return %arg0, %c0_i32 : i32, i32
  }
}

module attributes {stable_mosaic.version = 14 : i64} {
  func.func @_mm_body(%arg0: i32, %arg1: memref<2048x128xf32, #tpu.memory_space<vmem>>, %arg2: memref<128x128xf32, #tpu.memory_space<vmem>>, %arg3: memref<2x2048x1xf32, #tpu.memory_space<vmem>>, %arg4: memref<2048x128xf32, #tpu.memory_space<vmem>>) attributes {dimension_semantics = [#tpu.dimension_semantics<arbitrary>], iteration_bounds = array<i64: 5>, scalar_prefetch = 0 : i64, scratch_operands = 0 : i64, tpu.core_type = #tpu.core_type<tc>, window_params = [{transform_indices = @transform_0, window_bounds = array<i64: 2048, 128>}, {pipeline_mode = #tpu.pipeline_mode<synchronous>, transform_indices = @transform_1, window_bounds = array<i64: 128, 128>}, {transform_indices = @transform_2, window_bounds = array<i64: 2, 2048, 1>}, {transform_indices = @transform_3, window_bounds = array<i64: 2048, 128>}]} {
    %get3A = arith.constant 0 : index
    %get3A_0 = arith.constant 0 : index
    %get3A_1 = arith.constant 0 : index
    %get3A_2 = vector.load %arg3[%get3A, %get3A_0, %get3A_1] : memref<2x2048x1xf32, #tpu.memory_space<vmem>>, vector<1x2048x1xf32>
    %get3A_3 = vector.shape_cast %get3A_2 : vector<1x2048x1xf32> to vector<2048x1xf32>
    %get3A_4 = arith.constant 1 : index
    %get3A_5 = arith.constant 0 : index
    %get3A_6 = arith.constant 0 : index
    %get3A_7 = vector.load %arg3[%get3A_4, %get3A_5, %get3A_6] : memref<2x2048x1xf32, #tpu.memory_space<vmem>>, vector<1x2048x1xf32>
    %get3A_8 = vector.shape_cast %get3A_7 : vector<1x2048x1xf32> to vector<2048x1xf32>
    %add3A = arith.addf %get3A_3, %get3A_8 : vector<2048x1xf32>
    %add3A_9 = arith.constant 1.000000e+00 : f32
    %add3A_10 = vector.broadcast %add3A_9 : f32 to vector<2048x1xf32>
    %add3A_11 = arith.addf %add3A, %add3A_10 : vector<2048x1xf32>
    %rsqrt3A = math.rsqrt %add3A_11 : vector<2048x1xf32>
    %get3A_12 = arith.constant 0 : index
    %get3A_13 = arith.constant 0 : index
    %get3A_14 = vector.load %arg1[%get3A_12, %get3A_13] : memref<2048x128xf32, #tpu.memory_space<vmem>>, vector<2048x128xf32>
    %get3A_15 = arith.constant 0 : index
    %get3A_16 = arith.constant 0 : index
    %get3A_17 = vector.load %arg2[%get3A_15, %get3A_16] : memref<128x128xf32, #tpu.memory_space<vmem>>, vector<128x128xf32>
    %dot_general3A = arith.constant dense<0.000000e+00> : vector<2048x128xf32>
    %dot_general3A_18 = tpu.matmul %get3A_14, %get3A_17, %dot_general3A {dimension_numbers = #tpu.dot_dimension_numbers<[1], [0], [0], [1], [0, 0, 1, 1], [], []>, transpose_lhs_hint = false} : vector<2048x128xf32>, vector<128x128xf32>, vector<2048x128xf32> -> vector<2048x128xf32>
    %mul3A = vector.broadcast %rsqrt3A : vector<2048x1xf32> to vector<2048x128xf32>
    %mul3A_19 = arith.mulf %dot_general3A_18, %mul3A : vector<2048x128xf32>
    %swap3A = arith.constant 0 : index
    %swap3A_20 = arith.constant 0 : index
    %swap3A_21 = vector.load %arg4[%swap3A, %swap3A_20] : memref<2048x128xf32, #tpu.memory_space<vmem>>, vector<2048x128xf32>
    tpu.vector_store %arg4[%swap3A, %swap3A_20], %mul3A_19 {strides = array<i32>} : memref<2048x128xf32, #tpu.memory_space<vmem>>, vector<2048x128xf32>,
    return
  }
  func.func @transform_0(%arg0: i32) -> (i32, i32) {
    %c0_i32 = arith.constant 0 : i32
    %c0_i32_0 = arith.constant 0 : i32
    return %arg0, %c0_i32 : i32, i32
  }
  func.func @transform_1(%arg0: i32) -> (i32, i32) {
    %c0_i32 = arith.constant 0 : i32
    %c0_i32_0 = arith.constant 0 : i32
    %c0_i32_1 = arith.constant 0 : i32
    return %c0_i32, %c0_i32_0 : i32, i32
  }
  func.func @transform_2(%arg0: i32) -> (i32, i32, i32) {
    %c0_i32 = arith.constant 0 : i32
    %c0_i32_0 = arith.constant 0 : i32
    %c0_i32_1 = arith.constant 0 : i32
    return %c0_i32, %arg0, %c0_i32_0 : i32, i32, i32
  }
  func.func @transform_3(%arg0: i32) -> (i32, i32) {
    %c0_i32 = arith.constant 0 : i32
    %c0_i32_0 = arith.constant 0 : i32
    return %arg0, %c0_i32 : i32, i32
  }
}

</mosaic_0001>

<sc_bundles>
// kernel: kernel.6.cloned.1.call-start
scs
__scs_entry_jumppad:
0x0: {  	(pc) =	sbr.rel $0x88, $3  }
0x1: {  	(tag) =	ssettag $0x0;
	lr =	simm.s32 $0x1  }
0x2: {  	[smem:$0x3F9C] =	sst lr;
	_ =	strace $0xD0000000  }
0x3: {  	_ = 	snop  }
0x4: {  	_ = 	snop  }
0x5: {  	_ = 	snop  }
0x6: {  	_ = 	snop  }
0x7: {  	_ = 	snop  }
__scs_overlays_trampoline_lowered:
0x8: {  	[smem:$0x3FAB] =	sst s0  }
0x9: {  	[smem:$0x3FAC] =	sst s1  }
0xa: {  	[smem:$0x3FAD] =	sst s2  }
0xb: {  	[smem:$0x3FAE] =	sst s3  }
0xc: {  	[smem:$0x3FAF] =	sst s4  }
0xd: {  	[smem:$0x3FB0] =	sst s5  }
0xe: {  	[smem:$0x3FB1] =	sst s6  }
0xf: {  	[smem:$0x3FB2] =	sst s7  }
0x10: {  	[smem:$0x3FB3] =	sst s8  }
0x11: {  	[smem:$0x3FB4] =	sst s9;
	s0 =	simm.s32 @!p0 $0x0  }
0x12: {  	s1 =	sld [smem:$0x3F9A];
	s0 =	simm.s32 @p0 $0x1  }
0x13: {  	[smem:$0x3FB5] =	sst s0;
	s0 =	simm.s32 @!p1 $0x0  }
0x14: {  	s2 =	sld [smem:$0x3F99];
	s0 =	simm.s32 @p1 $0x1  }
0x15: {  	[smem:$0x3FB6] =	sst s0;
	s0 =	simm.s32 @!p2 $0x0  }
0x16: {  	s3 =	sld [smem:$0x3FDB];
	s0 =	simm.s32 @p2 $0x1  }
0x17: {  	s4 =	simm.s32 $0x1BF5;
	[smem:$0x3FB8] =	sst s0  }
0x18: {  	s0 =	sld [smem:$0x3F9B];
	_ =	swait.ge [sflag:s4], $0x0  }
0x19: {  	s7 =	sld [smem:$0x3F9C]  }
0x1a: {  	s8 =	sadd.s32 $0xFFFFE003, lr  }
0x1b: {  	s9 =	sadd.s32 $0xFFFFFEF7, lr;
	s5 =	simm.s32 $0xFFFFFFFF;
	p2 =	slt.u32 s8, $0xFFFFF086  }
0x1c: {  	p1 =	slt.u32 s9, $0xF7A;
	s5 =	simm.s32 @!p2 $0x0  }
0x1d: {  	s5 =	simm.s32 @p1 $0x1;
	p0 =	seq.s32 s7, s2  }
0x1e: {  	s7 =	smul.u32 @!p0 $0xF7A, s2;
	p2 =	seq.s32 @!p0 s5, $0x0  }
0x1f: {  	s9 =	smul.u32 $0xF7A, s1;
	s8 =	simm.s32 @!p0 $0x1BF5;
	p2 =	por !p2, p0  }
0x20: {  	[sflag:s8] =	ssyncset.s32 @!p0 $0xFFFFF086;
	s6 =	sadd.s32 @!p0 s3, s7;
	s7 =	simm.s32 @!p0 $0x108  }
0x21: {  	s3 =	sadd.s32 s3, s9;
	s6 =	sadd.s32 @!p0 $0x88, s6;
	s7 =	simm.s32 @p2 $0x1082  }
0x22: {  	[simem:s7], [sflag:s8] =	dma.local @!p0 [hbm:s6], $0xF7A  }
0x23: {  	s9 =	sor.u32 $0xD0000000, s2;
	s6 =	simm.s32 $0x108;
	_ =	swait.ge @!p0 [sflag:s8], $0x0  }
0x24: {  	s3 =	sadd.s32 $0x88, s3;
	s6 =	simm.s32 @!p1 $0x1082;
	[sflag:s4] =	ssyncset.s32 $0xFFFFF086  }
0x25: {  	[simem:s6], [sflag:s4] =	dma.local [hbm:s3], $0xF7A  }
0x26: {  	[smem:$0x3F9C] =	sst s1;
	(tag) =	ssettag s2;
	_ =	strace s9  }
0x27: {  	s1 =	sld [smem:$0x3FAC]  }
0x28: {  	s2 =	sld [smem:$0x3FAD]  }
0x29: {  	s4 =	sld [smem:$0x3FAF]  }
0x2a: {  	p0 =	seq.s32 s5, $0x0;
	s5 =	sld [smem:$0x3FB0]  }
0x2b: {  	s6 =	sld [smem:$0x3FB1]  }
0x2c: {  	s7 =	sld [smem:$0x3FB2]  }
0x2d: {  	s3 =	simm.s32 $0x108;
	s8 =	sld [smem:$0x3FB3]  }
0x2e: {  	s3 =	simm.s32 @!p0 $0x1082;
	s9 =	sld [smem:$0x3FB4]  }
0x2f: {  	lr =	sadd.s32 s0, s3;
	s0 =	sld [smem:$0x3FAB]  }
0x30: {  	s3 =	sld [smem:$0x3FAE]  }
0x31: {  	[smem:$0x3FB7] =	sst s10  }
0x32: {  	s10 =	sld [smem:$0x3FB5];
	_ =	sdelay $0x3  }
0x33: {  	p0 =	seq.s32 s10, $0x1;
	s10 =	sld [smem:$0x3FB7];
	_ =	sdelay $0x3  }
0x34: {  	[smem:$0x3FB7] =	sst s10  }
0x35: {  	s10 =	sld [smem:$0x3FB6];
	_ =	sdelay $0x3  }
0x36: {  	p1 =	seq.s32 s10, $0x1;
	s10 =	sld [smem:$0x3FB7];
	_ =	sdelay $0x3  }
0x37: {  	[smem:$0x3FB7] =	sst s10  }
0x38: {  	s10 =	sld [smem:$0x3FB8]  }
0x39: {  	_ = 	snop;
	(pc) =	sbr.ind lr, $3  }
0x3a: {  	_ = 	snop  }
0x3b: {  	_ = 	snop  }
0x3c: {  	p2 =	seq.s32 s10, $0x1;
	s10 =	sld [smem:$0x3FB7]  }
0x3d: {  	_ =	shalt  }
0x3e: {  	_ =	shalt  }
0x3f: {  	_ =	shalt  }
0x40: {  	_ =	shalt  }
0x41: {  	_ =	shalt  }
0x42: {  	_ =	shalt  }
0x43: {  	_ =	shalt  }
0x44: {  	_ =	shalt  }
0x45: {  	_ =	shalt  }
0x46: {  	_ =	shalt  }
0x47: {  	_ =	shalt  }
0x48: {  	_ =	shalt  }
0x49: {  	_ =	shalt  }
0x4a: {  	_ =	shalt  }
0x4b: {  	_ =	shalt  }
0x4c: {  	_ =	shalt  }
0x4d: {  	_ =	shalt  }
0x4e: {  	_ =	shalt  }
0x4f: {  	_ =	shalt  }
0x50: {  	_ =	shalt  }
0x51: {  	_ =	shalt  }
0x52: {  	_ =	shalt  }
0x53: {  	_ =	shalt  }
0x54: {  	_ =	shalt  }
0x55: {  	_ =	shalt  }
0x56: {  	_ =	shalt  }
0x57: {  	_ =	shalt  }
0x58: {  	_ =	shalt  }
0x59: {  	_ =	shalt  }
0x5a: {  	_ =	shalt  }
0x5b: {  	_ =	shalt  }
0x5c: {  	_ =	shalt  }
0x5d: {  	_ =	shalt  }
0x5e: {  	_ =	shalt  }
0x5f: {  	_ =	shalt  }
0x60: {  	_ =	shalt  }
0x61: {  	_ =	shalt  }
0x62: {  	_ =	shalt  }
0x63: {  	_ =	shalt  }
0x64: {  	_ =	shalt  }
0x65: {  	_ =	shalt  }
0x66: {  	_ =	shalt  }
0x67: {  	_ =	shalt  }
0x68: {  	_ =	shalt  }
0x69: {  	_ =	shalt  }
0x6a: {  	_ =	shalt  }
0x6b: {  	_ =	shalt  }
0x6c: {  	_ =	shalt  }
0x6d: {  	_ =	shalt  }
0x6e: {  	_ =	shalt  }
0x6f: {  	_ =	shalt  }
0x70: {  	_ =	shalt  }
0x71: {  	_ =	shalt  }
0x72: {  	_ =	shalt  }
0x73: {  	_ =	shalt  }
0x74: {  	_ =	shalt  }
0x75: {  	_ =	shalt  }
0x76: {  	_ =	shalt  }
0x77: {  	_ =	shalt  }
0x78: {  	_ =	shalt  }
0x79: {  	_ =	shalt  }
0x7a: {  	_ =	shalt  }
0x7b: {  	_ =	shalt  }
0x7c: {  	_ =	shalt  }
0x7d: {  	_ =	shalt  }
0x7e: {  	_ =	shalt  }
0x7f: {  	_ =	shalt  }
0x80: {  	_ =	shalt  }
0x81: {  	_ =	shalt  }
0x82: {  	_ =	shalt  }
0x83: {  	_ =	shalt  }
0x84: {  	_ =	shalt  }
0x85: {  	_ =	shalt  }
0x86: {  	_ =	shalt  }
0x87: {  	_ =	shalt  }
.Lfunc_end0:
.L_simem_size_0:
called_computation_lowered:
.L_overlay_start_0:
0x88: {  	s2 =	sld [smem:$0x3FD9]  }
0x89: {  	s3 =	sld [smem:$0x3FFE];
	_ =	sdelay $0x1  }
0x8a: {  	s1 =	srdreg.scid  }
0x8b: {  	s0 =	sand.u32 $0x1, s1  }
0x8c: {  	s16 =	sshll.u32 s0, $0xA;
	s2 =	sadd.s32 s3, s2  }
0x8d: {  	s2 =	sadd.s32 s2, s16  }
0x8e: {  	[smem:$0x3FC3] =	sst s2  }
0x8f: {  	_ = 	snop  }
0x90: {  	(tm) =	ssettm $0x1  }
0x91: {  	s17 =	sld [smem:$0x3FFB];
	_ =	sdelay $0x3  }
0x92: {  	_ =	strace s17  }
0x93: {  	s2 =	sld [smem:$0x3FFC];
	_ =	sdelay $0x3  }
0x94: {  	_ =	strace s2  }
0x95: {  	s2 =	sld [smem:$0x3FFD];
	_ =	sdelay $0x3  }
0x96: {  	_ =	strace s2  }
0x97: {  	_ =	strace $0x8FFFFFFF  }
0x98: {  	s18 =	sld [smem:$0x3FDB];
	_ =	sdelay $0x1  }
0x99: {  	s19 =	simm.s32 $_scs_section_size  }
0x9a: {  	s4 =	simm.s32 $_size__tile_overlayer_lowered;
	s5 =	simm.s32 $_tile_overlayer_lowered  }
0x9b: {  	s22 =	simm.s32 $0x1BFF;
	s21 =	sshll.u32 s5, $0x1;
	s2 =	sadd.s32 s19, s18  }
0x9c: {  	s6 =	simm.s32 $0x0;
	s20 =	sshll.u32 s4, $0x1;
	s4 =	sadd.s32 s21, s2  }
0x9d: {  	[timem:s6], [sflag:s22] =	dma.local [hbm:s4], s20  }
0x9e: {  	_ =	swait.ge [sflag:s22], s20  }
0x9f: {  	s3 =	ssub.s32 $0x0, s20;
	[sflag:s22] =	ssyncset.done $0x0  }
0xa0: {  	[sflag:s22] =	ssyncadd.s32 s3;
	_ =	sdelay $0x1  }
0xa1: {  	s23 =	simm.s32 $0x1B8B  }
0xa2: {  	_ =	swait.ge [sflag:s23], $0x1  }
0xa3: {  	[sflag:s23] =	ssyncset.done $0x0  }
0xa4: {  	s25 =	simm.s32 $0x1B8E;
	s24 =	sld [smem:$0x3FFE];
	[sflag:s23] =	ssyncadd.s32 $0xFFFFFFFF  }
0xa5: {  	s26 =	simm.s32 $execute0_lowered;
	[smem:$0x3FD2] =	sst s25  }
0xa6: {  	s4 =	sshll.u32 s26, $0x1;
	_ =	strace $0x80000046;
	[dreg:$0x1] =	wrdreg $0xFFFFFFFF  }
0xa7: {  	s28 =	simm.s32 $_size_execute0_lowered;
	s2 =	sadd.s32 s2, s4;
	[dreg:$0x0] =	wrdreg $0x0  }
0xa8: {  	s4 =	sshll.u32 s28, $0x1;
	[dreg:$0x2] =	wrdreg s2  }
0xa9: {  	[dreg:$0x3] =	wrdreg s4  }
0xaa: {  	[dreg:$0x4] =	wrdreg $0xC0  }
0xab: {  	_ =	task [dreg:s6], $0x5FFFF  }
0xac: {  	[dreg:$0x1] =	wrdreg $0xFFFFFFFF  }
0xad: {  	[dreg:$0x0] =	wrdreg $0x60  }
0xae: {  	[dreg:$0x2] =	wrdreg s24  }
0xaf: {  	[dreg:$0x3] =	wrdreg $0x37800  }
0xb0: {  	[dreg:$0x4] =	wrdreg $0x9  }
0xb1: {  	_ =	task.clear_ibuf [dreg:s6], $0x5FFFF;
	_ =	strace $0x90000046  }
0xb2: {  	s29 =	simm.s32 $0x9;
	_ =	strace $0x80000048  }
0xb3: {  	_ =	swait.ge [sflag:s29], $0x1  }
0xb4: {  	[sflag:s29] =	ssyncadd.s32 $0xFFFFFFFF  }
0xb5: {  	_ =	strace $0x90000048  }
0xb6: {  	_ =	sfence  }
0xb7: {  	s30 =	sld [smem:$0x0];
	_ =	sdelay $0x2  }
0xb8: {  	s31 =	sshll.u32 s1, $0xD;
	s1 =	sshrl.u32 s1, $0x2  }
0xb9: {  	s3 =	sand.u32 $0x4000, s31;
	s1 =	sadd.s32 s1, s30  }
0xba: {  	s0 =	sor.u32 s3, s0;
	s1 =	sshll.u32 s1, $0x11  }
0xbb: {  	s0 =	sor.u32 s1, s0  }
0xbc: {  	s0 =	sadd.s32 $0x8F2B, s0  }
0xbd: {  	[sflag:s0] =	ssyncadd.remote.s32 $0x1  }
0xbe: {  	_ =	sfence.sel $0xFFFF  }
0xbf: {  	[dreg:$0x0] =	wrdreg $0xFFFFFFFF;
	(pc) =	sbr.abs _section_cstart, $3  }
0xc0: {  	[dreg:$0x1] =	wrdreg $0xFFFFFFFF  }
0xc1: {  	_ =	task.clear_ibuf [dreg:s6], $0x2FFFF;
	_ =	strace $0x9FFFFFFF  }
0xc2: {  	(tm) =	ssettm $0x7FFFFFFF  }
0xc3: {  	_ =	shalt  }
tec
execute0_lowered:
.L_overlay_start_1:
0x0: {  	(tag) =	ssettag $0x1  }
0x1: {  	s9 =	rddreg [dreg:$0x0];
	s1 =	srdreg.scid  }
0x2: {  	s0 =	stileid.u32;
	s2 =	rddreg [dreg:$0x1];
	s3 =	simm.s32 $0x0  }
0x3: {  	s13 =	simm.s32 $0x2;
	s14 =	simm.s32 $0x80;
	s15 =	simm.s32 $0x3480  }
0x4: {  	s16 =	simm.s32 $0x1;
	s19 =	simm.s32 $0x20;
	s20 =	simm.s32 $0x10  }
0x5: {  	s5 =	sand.u32 $0x1, s1;
	s1 =	rddreg [dreg:$0x2];
	s6 =	smul.u32 $0x500, s0  }
0x6: {  	s4 =	sshll.u32 s0, $0x1;
	[smem:$0x7FF] =	sst s3;
	s10 =	smul.u32 $0xA00, s0  }
0x7: {  	p0 =	sgt.u32 s0, $0xB;
	s18 =	sshll.u32 s0, $0x6;
	s17 =	sor.u32 s5, s4  }
0x8: {  	_ =	strace $0x80000047;
	s8 =	sshll.u32 s5, $0x7;
	s5 =	ssub.s32 $0x2, s5  }
0x9: {  	s4 =	smul.u32 $0x680, s17;
	s6 =	sor.u32 s8, s6;
	s31 =	sshrl.u32 s5, $0x1  }
0xa: {  	s10 =	sshrl.u32 s10, $0x2;
	s8 =	sadd.s32 $0xBA20, s9;
	p1 =	sne.s32 s17, $0x18  }
.Ltmp0:
0xb: {  	s17 =	sor.u32 $0x1C02, s18;
	s6 =	sshrl.u32 s6, $0x3;
	(pc) =	sbr.rel .LBB2_1-.Ltmp0, $4  }
0xc: {  	s12 =	ssub.s32 s5, s31;
	s5 =	sadd.s32 s10, s2;
	s7 =	sadd.s32 s4, s9  }
0xd: {  	s4 =	sadd.s32 $0xBA00, s9;
	s11 =	sadd.s32 s6, s9;
	s18 =	sshrl.u32 s5, $0x3  }
0xe: {  	s6 =	sadd.s32 $0x1C00, s7;
	s7 =	sadd.s32 $0xBA10, s9;
	s9 =	sadd.s32 $0xBA30, s9  }
0xf: {  	v0 =	vimm.f32 $0.0e+00;
	v1 =	vimm.f32 $1.000000000e+00;
	s10 =	sadd.s32 $0xBC00, s11;
	s11 =	smax.u32 s12, $0x1;
	s12 =	simm.s32 $0x3500  }
.LBB2_5:
0x10: {  	[bflag:$0x0] =	sbarrier.arrive $0xFFFF  }
.LBB2_6:
0x11: {  	s21 =	simm.s32 @!p1 $0x0;
	s22 =	simm.s32 @!p1 $0x3400;
	s23 =	simm.s32 @!p1 $0x2  }
0x12: {  	[tilespmem:s22], [sflag:$0x2] =	stream.linear.gather @!p1 [hbm4b:s4+s21], $0x80, $0x38;
	[tilespmem:$0x3A00] =	vst v63  }
0x13: {  	_ =	swait.ge @!p1 [sflag:s23], $0x80  }
0x14: {  	[sflag:s23] =	ssyncset.done @!p1 $0x0  }
0x15: {  	s24 =	simm.s32 @!p1 $0x80;
	s25 =	simm.s32 @!p1 $0x3480;
	[sflag:s23] =	ssyncadd.s32 @!p1 $0xFFFFFF80  }
0x16: {  	[spmem:s2] =	stream.indirect.scatter.add.f32 @!p1 [tilespmem:s25], [sflag:$0x2], $0x1, s22, s24, $0xb8;
	[tilespmem:$0x3A00] =	vst v63  }
0x17: {  	_ =	swait.ge @!p1 [sflag:s23], $0x80  }
0x18: {  	[sflag:s23] =	ssyncset.done @!p1 $0x0  }
0x19: {  	[sflag:s23] =	ssyncadd.s32 @!p1 $0xFFFFFF80  }
0x1a: {  	[tilespmem:s22], [sflag:$0x2] =	stream.linear.gather @!p1 [hbm4b:s7+s21], $0x80, $0x38;
	[tilespmem:$0x3A00] =	vst v63  }
0x1b: {  	_ =	swait.ge @!p1 [sflag:s23], $0x80  }
0x1c: {  	[sflag:s23] =	ssyncset.done @!p1 $0x0  }
0x1d: {  	[sflag:s23] =	ssyncadd.s32 @!p1 $0xFFFFFF80  }
0x1e: {  	[spmem:s2] =	stream.indirect.scatter.add.f32 @!p1 [tilespmem:s25], [sflag:$0x2], $0x1, s22, s24, $0xb8;
	[tilespmem:$0x3A00] =	vst v63  }
0x1f: {  	_ =	swait.ge @!p1 [sflag:s23], $0x80  }
0x20: {  	[sflag:s23] =	ssyncset.done @!p1 $0x0  }
0x21: {  	[sflag:s23] =	ssyncadd.s32 @!p1 $0xFFFFFF80  }
0x22: {  	[tilespmem:s22], [sflag:$0x2] =	stream.linear.gather @!p1 [hbm4b:s8+s21], $0x80, $0x38;
	[tilespmem:$0x3A00] =	vst v63  }
0x23: {  	_ =	swait.ge @!p1 [sflag:s23], $0x80  }
0x24: {  	[sflag:s23] =	ssyncset.done @!p1 $0x0  }
0x25: {  	[sflag:s23] =	ssyncadd.s32 @!p1 $0xFFFFFF80  }
0x26: {  	[spmem:s2] =	stream.indirect.scatter.add.f32 @!p1 [tilespmem:s25], [sflag:$0x2], $0x1, s22, s24, $0xb8;
	[tilespmem:$0x3A00] =	vst v63  }
0x27: {  	_ =	swait.ge @!p1 [sflag:s23], $0x80  }
0x28: {  	[sflag:s23] =	ssyncset.done @!p1 $0x0  }
0x29: {  	[sflag:s23] =	ssyncadd.s32 @!p1 $0xFFFFFF80  }
0x2a: {  	[tilespmem:s22], [sflag:$0x2] =	stream.linear.gather @!p1 [hbm4b:s9+s21], $0x80, $0x38;
	[tilespmem:$0x3A00] =	vst v63  }
0x2b: {  	_ =	swait.ge @!p1 [sflag:s23], $0x80  }
0x2c: {  	[sflag:s23] =	ssyncset.done @!p1 $0x0  }
0x2d: {  	[sflag:s23] =	ssyncadd.s32 @!p1 $0xFFFFFF80  }
0x2e: {  	[spmem:s2] =	stream.indirect.scatter.add.f32 @!p1 [tilespmem:s25], [sflag:$0x2], $0x1, s22, s24, $0xb8;
	[tilespmem:$0x3A00] =	vst v63  }
0x2f: {  	_ =	swait.ge @!p1 [sflag:s23], $0x80  }
0x30: {  	s3 =	sadd.s32 $0x1, s3;
	[sflag:s23] =	ssyncset.done @!p1 $0x0  }
0x31: {  	p2 =	sne.s32 s3, s11;
	[sflag:s23] =	ssyncadd.s32 @!p1 $0xFFFFFF80  }
.Ltmp1:
0x32: {  	[bflag:$0x0] =	sbarrier.arrive $0xFFFF;
	(pc) =	sbr.rel @!p2 .LBB2_7-.Ltmp1, $4  }
0x33: {  	[hbm:s10@s19], [sflag:s17] =	dma.strided [spmem:s18@s20], $0x50, s16, $0x10   }
0x34: {  	_ =	swait.ge [sflag:s13], $0x50  }
0x35: {  	[sflag:s13] =	ssyncset.done $0x0  }
0x36: {  	[sflag:s13] =	ssyncadd.s32 $0xFFFFFFB0  }
.LBB2_1:
0x37: {  	[tilespmem:$0x3500] =	vst v0  }
0x38: {  	[tilespmem:$0x3510] =	vst v0  }
0x39: {  	[tilespmem:$0x3520] =	vst v0  }
0x3a: {  	[tilespmem:$0x3530] =	vst v0  }
0x3b: {  	[tilespmem:$0x3540] =	vst v0  }
0x3c: {  	[tilespmem:$0x3550] =	vst v0  }
0x3d: {  	[tilespmem:$0x3560] =	vst v0  }
0x3e: {  	[tilespmem:$0x3570] =	vst v0  }
0x3f: {  	[tilespmem:$0x3580] =	vst v0  }
0x40: {  	[tilespmem:$0x3590] =	vst v0  }
0x41: {  	[tilespmem:$0x35A0] =	vst v0  }
0x42: {  	[tilespmem:$0x35B0] =	vst v0  }
0x43: {  	[tilespmem:$0x35C0] =	vst v0  }
0x44: {  	[tilespmem:$0x35D0] =	vst v0  }
0x45: {  	[tilespmem:$0x35E0] =	vst v0  }
0x46: {  	[tilespmem:$0x35F0] =	vst v0  }
0x47: {  	[tilespmem:$0x3600] =	vst v0  }
0x48: {  	[tilespmem:$0x3610] =	vst v0  }
0x49: {  	[tilespmem:$0x3620] =	vst v0  }
0x4a: {  	[tilespmem:$0x3630] =	vst v0  }
0x4b: {  	[tilespmem:$0x3640] =	vst v0  }
0x4c: {  	[tilespmem:$0x3650] =	vst v0  }
0x4d: {  	[tilespmem:$0x3660] =	vst v0  }
0x4e: {  	[tilespmem:$0x3670] =	vst v0  }
0x4f: {  	[tilespmem:$0x3680] =	vst v0  }
0x50: {  	[tilespmem:$0x3690] =	vst v0  }
0x51: {  	[tilespmem:$0x36A0] =	vst v0  }
0x52: {  	[tilespmem:$0x36B0] =	vst v0  }
0x53: {  	[tilespmem:$0x36C0] =	vst v0  }
0x54: {  	[tilespmem:$0x36D0] =	vst v0  }
0x55: {  	[tilespmem:$0x36E0] =	vst v0  }
0x56: {  	[tilespmem:$0x36F0] =	vst v0  }
0x57: {  	[tilespmem:$0x3700] =	vst v0  }
0x58: {  	[tilespmem:$0x3710] =	vst v0  }
0x59: {  	[tilespmem:$0x3720] =	vst v0  }
0x5a: {  	[tilespmem:$0x3730] =	vst v0  }
0x5b: {  	[tilespmem:$0x3740] =	vst v0  }
0x5c: {  	[tilespmem:$0x3750] =	vst v0  }
0x5d: {  	[tilespmem:$0x3760] =	vst v0  }
0x5e: {  	[tilespmem:$0x3770] =	vst v0  }
0x5f: {  	[tilespmem:$0x3480] =	vst v1  }
0x60: {  	[tilespmem:$0x3490] =	vst v1  }
0x61: {  	[tilespmem:$0x34A0] =	vst v1  }
0x62: {  	[tilespmem:$0x34B0] =	vst v1  }
0x63: {  	[tilespmem:$0x34C0] =	vst v1  }
0x64: {  	[tilespmem:$0x34D0] =	vst v1  }
0x65: {  	[tilespmem:$0x34E0] =	vst v1  }
.Ltmp2:
0x66: {  	[tilespmem:$0x34F0] =	vst v1;
	(pc) =	sbr.rel @p0 .LBB2_5-.Ltmp2, $4  }
0x67: {  	[spmem:s5] =	stream.linear.scatter [tilespmem:s12], [sflag:$0x2], $0x280, $0x38;
	[tilespmem:$0x3A00] =	vst v63  }
0x68: {  	_ =	swait.ge [sflag:s13], $0x280  }
0x69: {  	[sflag:s13] =	ssyncset.done $0x0  }
0x6a: {  	[sflag:s13] =	ssyncadd.s32 $0xFFFFFD80  }
0x6b: {  	s21 =	simm.s32 $0x0  }
0x6c: {  	[tilespmem:s21], [sflag:$0x2] =	stream.linear.gather [hbm4b:s6+s21], $0x3400, $0x38;
	[tilespmem:$0x3A00] =	vst v63  }
0x6d: {  	_ =	swait.ge [sflag:s13], $0x3400  }
0x6e: {  	[sflag:s13] =	ssyncset.done $0x0  }
0x6f: {  	[sflag:s13] =	ssyncadd.s32 $0xFFFFCC00  }
0x70: {  	s23 =	simm.s32 $0x0;
	[bflag:$0x0] =	sbarrier.arrive $0xFFFF  }
0x71: {  	[spmem:s2] =	stream.indirect.scatter.add.f32 [tilespmem:s15], [sflag:$0x1], $0x1, s23, s14, $0xb8;
	[tilespmem:$0x3A00] =	vst v63  }
0x72: {  	s24 =	simm.s32 $0x80  }
0x73: {  	[spmem:s2] =	stream.indirect.scatter.add.f32 [tilespmem:s15], [sflag:$0x1], $0x1, s24, s14, $0xb8;
	[tilespmem:$0x3A00] =	vst v63  }
0x74: {  	s25 =	simm.s32 $0x100  }
0x75: {  	[spmem:s2] =	stream.indirect.scatter.add.f32 [tilespmem:s15], [sflag:$0x1], $0x1, s25, s14, $0xb8;
	[tilespmem:$0x3A00] =	vst v63  }
0x76: {  	s26 =	simm.s32 $0x180  }
0x77: {  	[spmem:s2] =	stream.indirect.scatter.add.f32 [tilespmem:s15], [sflag:$0x1], $0x1, s26, s14, $0xb8;
	[tilespmem:$0x3A00] =	vst v63  }
0x78: {  	s28 =	simm.s32 $0x200  }
0x79: {  	[spmem:s2] =	stream.indirect.scatter.add.f32 [tilespmem:s15], [sflag:$0x1], $0x1, s28, s14, $0xb8;
	[tilespmem:$0x3A00] =	vst v63  }
0x7a: {  	s29 =	simm.s32 $0x280  }
0x7b: {  	[spmem:s2] =	stream.indirect.scatter.add.f32 [tilespmem:s15], [sflag:$0x1], $0x1, s29, s14, $0xb8;
	[tilespmem:$0x3A00] =	vst v63  }
0x7c: {  	s30 =	simm.s32 $0x300  }
0x7d: {  	[spmem:s2] =	stream.indirect.scatter.add.f32 [tilespmem:s15], [sflag:$0x1], $0x1, s30, s14, $0xb8;
	[tilespmem:$0x3A00] =	vst v63  }
0x7e: {  	s31 =	simm.s32 $0x380  }
0x7f: {  	[spmem:s2] =	stream.indirect.scatter.add.f32 [tilespmem:s15], [sflag:$0x1], $0x1, s31, s14, $0xb8;
	[tilespmem:$0x3A00] =	vst v63  }
0x80: {  	_ =	swait.ge [sflag:s16], $0x80  }
0x81: {  	[sflag:s16] =	ssyncset.done $0x0  }
0x82: {  	[sflag:s16] =	ssyncadd.s32 $0xFFFFFF80  }
0x83: {  	_ =	swait.ge [sflag:s16], $0x80  }
0x84: {  	[sflag:s16] =	ssyncset.done $0x0  }
0x85: {  	[sflag:s16] =	ssyncadd.s32 $0xFFFFFF80  }
0x86: {  	_ =	swait.ge [sflag:s16], $0x80  }
0x87: {  	[sflag:s16] =	ssyncset.done $0x0  }
0x88: {  	[sflag:s16] =	ssyncadd.s32 $0xFFFFFF80  }
0x89: {  	_ =	swait.ge [sflag:s16], $0x80  }
0x8a: {  	[sflag:s16] =	ssyncset.done $0x0  }
0x8b: {  	[sflag:s16] =	ssyncadd.s32 $0xFFFFFF80  }
0x8c: {  	_ =	swait.ge [sflag:s16], $0x80  }
0x8d: {  	[sflag:s16] =	ssyncset.done $0x0  }
0x8e: {  	[sflag:s16] =	ssyncadd.s32 $0xFFFFFF80  }
0x8f: {  	_ =	swait.ge [sflag:s16], $0x80  }
0x90: {  	[sflag:s16] =	ssyncset.done $0x0  }
0x91: {  	[sflag:s16] =	ssyncadd.s32 $0xFFFFFF80  }
0x92: {  	_ =	swait.ge [sflag:s16], $0x80  }
0x93: {  	[sflag:s16] =	ssyncset.done $0x0  }
0x94: {  	[sflag:s16] =	ssyncadd.s32 $0xFFFFFF80  }
0x95: {  	_ =	swait.ge [sflag:s16], $0x80  }
0x96: {  	s21 =	simm.s32 $0x1000;
	s23 =	simm.s32 $0x2000;
	[sflag:s16] =	ssyncset.done $0x0  }
.LBB2_3:
0x97: {  	s24 =	sshra.s32 s21, $0x2  }
0x98: {  	[sflag:s16] =	ssyncadd.s32 $0xFFFFFF80;
	s21 =	smov.u32 s23;
	s22 =	sadd.s32 $0x1000, s23  }
0x99: {  	[spmem:s2] =	stream.indirect.scatter.add.f32 [tilespmem:s15], [sflag:$0x1], $0x1, s24, s14, $0xb8;
	[tilespmem:$0x3A00] =	vst v63  }
0x9a: {  	p2 =	seq.s32 s23, $0xC000;
	s23 =	sadd.s32 $0x80, s24  }
0x9b: {  	[spmem:s2] =	stream.indirect.scatter.add.f32 [tilespmem:s15], [sflag:$0x1], $0x1, s23, s14, $0xb8;
	[tilespmem:$0x3A00] =	vst v63  }
0x9c: {  	s23 =	sadd.s32 $0x100, s24  }
0x9d: {  	[spmem:s2] =	stream.indirect.scatter.add.f32 [tilespmem:s15], [sflag:$0x1], $0x1, s23, s14, $0xb8;
	[tilespmem:$0x3A00] =	vst v63  }
0x9e: {  	s23 =	sadd.s32 $0x180, s24  }
0x9f: {  	[spmem:s2] =	stream.indirect.scatter.add.f32 [tilespmem:s15], [sflag:$0x1], $0x1, s23, s14, $0xb8;
	[tilespmem:$0x3A00] =	vst v63  }
0xa0: {  	s23 =	sadd.s32 $0x200, s24  }
0xa1: {  	[spmem:s2] =	stream.indirect.scatter.add.f32 [tilespmem:s15], [sflag:$0x1], $0x1, s23, s14, $0xb8;
	[tilespmem:$0x3A00] =	vst v63  }
0xa2: {  	s23 =	sadd.s32 $0x280, s24  }
0xa3: {  	[spmem:s2] =	stream.indirect.scatter.add.f32 [tilespmem:s15], [sflag:$0x1], $0x1, s23, s14, $0xb8;
	[tilespmem:$0x3A00] =	vst v63  }
0xa4: {  	s23 =	sadd.s32 $0x300, s24  }
0xa5: {  	[spmem:s2] =	stream.indirect.scatter.add.f32 [tilespmem:s15], [sflag:$0x1], $0x1, s23, s14, $0xb8;
	[tilespmem:$0x3A00] =	vst v63  }
0xa6: {  	s23 =	sadd.s32 $0x380, s24  }
0xa7: {  	[spmem:s2] =	stream.indirect.scatter.add.f32 [tilespmem:s15], [sflag:$0x1], $0x1, s23, s14, $0xb8;
	[tilespmem:$0x3A00] =	vst v63  }
0xa8: {  	_ =	swait.ge [sflag:s16], $0x80  }
0xa9: {  	[sflag:s16] =	ssyncset.done $0x0  }
0xaa: {  	[sflag:s16] =	ssyncadd.s32 $0xFFFFFF80  }
0xab: {  	_ =	swait.ge [sflag:s16], $0x80  }
0xac: {  	[sflag:s16] =	ssyncset.done $0x0  }
0xad: {  	[sflag:s16] =	ssyncadd.s32 $0xFFFFFF80  }
0xae: {  	_ =	swait.ge [sflag:s16], $0x80  }
0xaf: {  	[sflag:s16] =	ssyncset.done $0x0  }
0xb0: {  	[sflag:s16] =	ssyncadd.s32 $0xFFFFFF80  }
0xb1: {  	_ =	swait.ge [sflag:s16], $0x80  }
0xb2: {  	[sflag:s16] =	ssyncset.done $0x0  }
0xb3: {  	[sflag:s16] =	ssyncadd.s32 $0xFFFFFF80  }
0xb4: {  	_ =	swait.ge [sflag:s16], $0x80  }
0xb5: {  	[sflag:s16] =	ssyncset.done $0x0  }
0xb6: {  	[sflag:s16] =	ssyncadd.s32 $0xFFFFFF80  }
0xb7: {  	_ =	swait.ge [sflag:s16], $0x80  }
0xb8: {  	[sflag:s16] =	ssyncset.done $0x0  }
0xb9: {  	[sflag:s16] =	ssyncadd.s32 $0xFFFFFF80  }
.Ltmp3:
0xba: {  	_ =	swait.ge [sflag:s16], $0x80;
	(pc) =	sbr.rel @!p2 .LBB2_3-.Ltmp3, $4  }
0xbb: {  	[sflag:s16] =	ssyncset.done $0x0  }
0xbc: {  	[sflag:s16] =	ssyncadd.s32 $0xFFFFFF80  }
0xbd: {  	_ =	swait.ge [sflag:s16], $0x80  }
0xbe: {  	s23 =	smov.u32 s22;
	[sflag:s16] =	ssyncset.done $0x0  }
0xbf: {  	s21 =	sshra.s32 s21, $0x2;
	[sflag:s16] =	ssyncadd.s32 $0xFFFFFF80  }
0xc0: {  	[spmem:s2] =	stream.indirect.scatter.add.f32 [tilespmem:s15], [sflag:$0x1], $0x1, s21, s14, $0xb8;
	[tilespmem:$0x3A00] =	vst v63  }
0xc1: {  	s22 =	sadd.s32 $0x80, s21  }
0xc2: {  	[spmem:s2] =	stream.indirect.scatter.add.f32 [tilespmem:s15], [sflag:$0x1], $0x1, s22, s14, $0xb8;
	[tilespmem:$0x3A00] =	vst v63  }
0xc3: {  	s26 =	sadd.s32 $0x100, s21  }
0xc4: {  	[spmem:s2] =	stream.indirect.scatter.add.f32 [tilespmem:s15], [sflag:$0x1], $0x1, s26, s14, $0xb8;
	[tilespmem:$0x3A00] =	vst v63  }
0xc5: {  	s28 =	sadd.s32 $0x180, s21  }
0xc6: {  	[spmem:s2] =	stream.indirect.scatter.add.f32 [tilespmem:s15], [sflag:$0x1], $0x1, s28, s14, $0xb8;
	[tilespmem:$0x3A00] =	vst v63  }
0xc7: {  	s29 =	sadd.s32 $0x200, s21  }
0xc8: {  	[spmem:s2] =	stream.indirect.scatter.add.f32 [tilespmem:s15], [sflag:$0x1], $0x1, s29, s14, $0xb8;
	[tilespmem:$0x3A00] =	vst v63  }
0xc9: {  	s30 =	sadd.s32 $0x280, s21  }
0xca: {  	[spmem:s2] =	stream.indirect.scatter.add.f32 [tilespmem:s15], [sflag:$0x1], $0x1, s30, s14, $0xb8;
	[tilespmem:$0x3A00] =	vst v63  }
0xcb: {  	s31 =	sadd.s32 $0x300, s21  }
0xcc: {  	[spmem:s2] =	stream.indirect.scatter.add.f32 [tilespmem:s15], [sflag:$0x1], $0x1, s31, s14, $0xb8;
	[tilespmem:$0x3A00] =	vst v63  }
0xcd: {  	s21 =	sadd.s32 $0x380, s21  }
0xce: {  	[spmem:s2] =	stream.indirect.scatter.add.f32 [tilespmem:s15], [sflag:$0x1], $0x1, s21, s14, $0xb8;
	[tilespmem:$0x3A00] =	vst v63  }
0xcf: {  	_ =	swait.ge [sflag:s16], $0x80  }
0xd0: {  	[sflag:s16] =	ssyncset.done $0x0  }
0xd1: {  	[sflag:s16] =	ssyncadd.s32 $0xFFFFFF80  }
0xd2: {  	_ =	swait.ge [sflag:s16], $0x80  }
0xd3: {  	[sflag:s16] =	ssyncset.done $0x0  }
0xd4: {  	[sflag:s16] =	ssyncadd.s32 $0xFFFFFF80  }
0xd5: {  	_ =	swait.ge [sflag:s16], $0x80  }
0xd6: {  	[sflag:s16] =	ssyncset.done $0x0  }
0xd7: {  	[sflag:s16] =	ssyncadd.s32 $0xFFFFFF80  }
0xd8: {  	_ =	swait.ge [sflag:s16], $0x80  }
0xd9: {  	[sflag:s16] =	ssyncset.done $0x0  }
0xda: {  	[sflag:s16] =	ssyncadd.s32 $0xFFFFFF80  }
0xdb: {  	_ =	swait.ge [sflag:s16], $0x80  }
0xdc: {  	[sflag:s16] =	ssyncset.done $0x0  }
0xdd: {  	[sflag:s16] =	ssyncadd.s32 $0xFFFFFF80  }
0xde: {  	_ =	swait.ge [sflag:s16], $0x80  }
0xdf: {  	[sflag:s16] =	ssyncset.done $0x0  }
0xe0: {  	[sflag:s16] =	ssyncadd.s32 $0xFFFFFF80  }
0xe1: {  	_ =	swait.ge [sflag:s16], $0x80  }
.Ltmp4:
0xe2: {  	[sflag:s16] =	ssyncset.done $0x0;
	(pc) =	sbr.rel .LBB2_6-.Ltmp4, $4  }
0xe3: {  	[sflag:s16] =	ssyncadd.s32 $0xFFFFFF80  }
0xe4: {  	_ =	swait.ge [sflag:s16], $0x80  }
0xe5: {  	[sflag:s16] =	ssyncset.done $0x0  }
0xe6: {  	[sflag:s16] =	ssyncadd.s32 $0xFFFFFF80  }
.LBB2_7:
0xe7: {  	_ =	sfence.sel $0x180000  }
0xe8: {  	[bflag:$0x0] =	sbarrier.arrive $0xFFFF  }
0xe9: {  	p0 =	sne.s32 s0, $0x0;
	_ =	strace $0x90000047  }
0xea: {  	s0 =	sadd.s32 @!p0 $0x100000, s1;
	[bflag:$0x2] =	sbarrier.arrive $0xFFFF  }
0xeb: {  	[sflag:s0] =	ssyncadd.tile.s32 @!p0 $0x1;
	_ =	shalt  }
.Lfunc_end2:
_tile_overlayer_lowered:
.L_overlay_start_2:
0xec: {  	(tag) =	ssettag $0x2  }
0xed: {  	s0 =	rddreg [dreg:$0x0];
	s2 =	stileid.u32  }
0xee: {  	s1 =	rddreg [dreg:$0x1];
	p0 =	sne.s32 s2, $0x0  }
0xef: {  	s3 =	rddreg [dreg:$0x2];
	[bflag:$0x3] =	sbarrier.arrive $0xFFFF;
	s2 =	simm.s32 @!p0 $0x1C02  }
0xf0: {  	[timem:s3], [sflag:s2] =	dma.local @!p0 [hbm:s0], s1  }
0xf1: {  	s0 =	simm.s32 @!p0 $0x2  }
0xf2: {  	_ =	swait.ge @!p0 [sflag:s0], s1  }
0xf3: {  	s1 =	ssub.s32 @!p0 $0x0, s1;
	[sflag:s0] =	ssyncset.done @!p0 $0x0  }
0xf4: {  	[sflag:s0] =	ssyncadd.s32 @!p0 s1  }
0xf5: {  	[bflag:$0x3] =	sbarrier.arrive $0xFFFF  }
0xf6: {  	_ =	shalt  }

// kernel: kernel.9.cloned.1.call-start
scs
__scs_entry_jumppad:
0x0: {  	(pc) =	sbr.rel $0x88, $3  }
0x1: {  	(tag) =	ssettag $0x0;
	lr =	simm.s32 $0x1  }
0x2: {  	[smem:$0x3F9C] =	sst lr;
	_ =	strace $0xD0000000  }
0x3: {  	_ = 	snop  }
0x4: {  	_ = 	snop  }
0x5: {  	_ = 	snop  }
0x6: {  	_ = 	snop  }
0x7: {  	_ = 	snop  }
__scs_overlays_trampoline_lowered:
0x8: {  	[smem:$0x3FAB] =	sst s0  }
0x9: {  	[smem:$0x3FAC] =	sst s1  }
0xa: {  	[smem:$0x3FAD] =	sst s2  }
0xb: {  	[smem:$0x3FAE] =	sst s3  }
0xc: {  	[smem:$0x3FAF] =	sst s4  }
0xd: {  	[smem:$0x3FB0] =	sst s5  }
0xe: {  	[smem:$0x3FB1] =	sst s6  }
0xf: {  	[smem:$0x3FB2] =	sst s7  }
0x10: {  	[smem:$0x3FB3] =	sst s8  }
0x11: {  	[smem:$0x3FB4] =	sst s9;
	s0 =	simm.s32 @!p0 $0x0  }
0x12: {  	s1 =	sld [smem:$0x3F9A];
	s0 =	simm.s32 @p0 $0x1  }
0x13: {  	[smem:$0x3FB5] =	sst s0;
	s0 =	simm.s32 @!p1 $0x0  }
0x14: {  	s2 =	sld [smem:$0x3F99];
	s0 =	simm.s32 @p1 $0x1  }
0x15: {  	[smem:$0x3FB6] =	sst s0;
	s0 =	simm.s32 @!p2 $0x0  }
0x16: {  	s3 =	sld [smem:$0x3FDB];
	s0 =	simm.s32 @p2 $0x1  }
0x17: {  	s4 =	simm.s32 $0x1BF5;
	[smem:$0x3FB8] =	sst s0  }
0x18: {  	s0 =	sld [smem:$0x3F9B];
	_ =	swait.ge [sflag:s4], $0x0  }
0x19: {  	s7 =	sld [smem:$0x3F9C]  }
0x1a: {  	s8 =	sadd.s32 $0xFFFFE003, lr  }
0x1b: {  	s9 =	sadd.s32 $0xFFFFFEF7, lr;
	s5 =	simm.s32 $0xFFFFFFFF;
	p2 =	slt.u32 s8, $0xFFFFF086  }
0x1c: {  	p1 =	slt.u32 s9, $0xF7A;
	s5 =	simm.s32 @!p2 $0x0  }
0x1d: {  	s5 =	simm.s32 @p1 $0x1;
	p0 =	seq.s32 s7, s2  }
0x1e: {  	s7 =	smul.u32 @!p0 $0xF7A, s2;
	p2 =	seq.s32 @!p0 s5, $0x0  }
0x1f: {  	s9 =	smul.u32 $0xF7A, s1;
	s8 =	simm.s32 @!p0 $0x1BF5;
	p2 =	por !p2, p0  }
0x20: {  	[sflag:s8] =	ssyncset.s32 @!p0 $0xFFFFF086;
	s6 =	sadd.s32 @!p0 s3, s7;
	s7 =	simm.s32 @!p0 $0x108  }
0x21: {  	s3 =	sadd.s32 s3, s9;
	s6 =	sadd.s32 @!p0 $0x88, s6;
	s7 =	simm.s32 @p2 $0x1082  }
0x22: {  	[simem:s7], [sflag:s8] =	dma.local @!p0 [hbm:s6], $0xF7A  }
0x23: {  	s9 =	sor.u32 $0xD0000000, s2;
	s6 =	simm.s32 $0x108;
	_ =	swait.ge @!p0 [sflag:s8], $0x0  }
0x24: {  	s3 =	sadd.s32 $0x88, s3;
	s6 =	simm.s32 @!p1 $0x1082;
	[sflag:s4] =	ssyncset.s32 $0xFFFFF086  }
0x25: {  	[simem:s6], [sflag:s4] =	dma.local [hbm:s3], $0xF7A  }
0x26: {  	[smem:$0x3F9C] =	sst s1;
	(tag) =	ssettag s2;
	_ =	strace s9  }
0x27: {  	s1 =	sld [smem:$0x3FAC]  }
0x28: {  	s2 =	sld [smem:$0x3FAD]  }
0x29: {  	s4 =	sld [smem:$0x3FAF]  }
0x2a: {  	p0 =	seq.s32 s5, $0x0;
	s5 =	sld [smem:$0x3FB0]  }
0x2b: {  	s6 =	sld [smem:$0x3FB1]  }
0x2c: {  	s7 =	sld [smem:$0x3FB2]  }
0x2d: {  	s3 =	simm.s32 $0x108;
	s8 =	sld [smem:$0x3FB3]  }
0x2e: {  	s3 =	simm.s32 @!p0 $0x1082;
	s9 =	sld [smem:$0x3FB4]  }
0x2f: {  	lr =	sadd.s32 s0, s3;
	s0 =	sld [smem:$0x3FAB]  }
0x30: {  	s3 =	sld [smem:$0x3FAE]  }
0x31: {  	[smem:$0x3FB7] =	sst s10  }
0x32: {  	s10 =	sld [smem:$0x3FB5];
	_ =	sdelay $0x3  }
0x33: {  	p0 =	seq.s32 s10, $0x1;
	s10 =	sld [smem:$0x3FB7];
	_ =	sdelay $0x3  }
0x34: {  	[smem:$0x3FB7] =	sst s10  }
0x35: {  	s10 =	sld [smem:$0x3FB6];
	_ =	sdelay $0x3  }
0x36: {  	p1 =	seq.s32 s10, $0x1;
	s10 =	sld [smem:$0x3FB7];
	_ =	sdelay $0x3  }
0x37: {  	[smem:$0x3FB7] =	sst s10  }
0x38: {  	s10 =	sld [smem:$0x3FB8]  }
0x39: {  	_ = 	snop;
	(pc) =	sbr.ind lr, $3  }
0x3a: {  	_ = 	snop  }
0x3b: {  	_ = 	snop  }
0x3c: {  	p2 =	seq.s32 s10, $0x1;
	s10 =	sld [smem:$0x3FB7]  }
0x3d: {  	_ =	shalt  }
0x3e: {  	_ =	shalt  }
0x3f: {  	_ =	shalt  }
0x40: {  	_ =	shalt  }
0x41: {  	_ =	shalt  }
0x42: {  	_ =	shalt  }
0x43: {  	_ =	shalt  }
0x44: {  	_ =	shalt  }
0x45: {  	_ =	shalt  }
0x46: {  	_ =	shalt  }
0x47: {  	_ =	shalt  }
0x48: {  	_ =	shalt  }
0x49: {  	_ =	shalt  }
0x4a: {  	_ =	shalt  }
0x4b: {  	_ =	shalt  }
0x4c: {  	_ =	shalt  }
0x4d: {  	_ =	shalt  }
0x4e: {  	_ =	shalt  }
0x4f: {  	_ =	shalt  }
0x50: {  	_ =	shalt  }
0x51: {  	_ =	shalt  }
0x52: {  	_ =	shalt  }
0x53: {  	_ =	shalt  }
0x54: {  	_ =	shalt  }
0x55: {  	_ =	shalt  }
0x56: {  	_ =	shalt  }
0x57: {  	_ =	shalt  }
0x58: {  	_ =	shalt  }
0x59: {  	_ =	shalt  }
0x5a: {  	_ =	shalt  }
0x5b: {  	_ =	shalt  }
0x5c: {  	_ =	shalt  }
0x5d: {  	_ =	shalt  }
0x5e: {  	_ =	shalt  }
0x5f: {  	_ =	shalt  }
0x60: {  	_ =	shalt  }
0x61: {  	_ =	shalt  }
0x62: {  	_ =	shalt  }
0x63: {  	_ =	shalt  }
0x64: {  	_ =	shalt  }
0x65: {  	_ =	shalt  }
0x66: {  	_ =	shalt  }
0x67: {  	_ =	shalt  }
0x68: {  	_ =	shalt  }
0x69: {  	_ =	shalt  }
0x6a: {  	_ =	shalt  }
0x6b: {  	_ =	shalt  }
0x6c: {  	_ =	shalt  }
0x6d: {  	_ =	shalt  }
0x6e: {  	_ =	shalt  }
0x6f: {  	_ =	shalt  }
0x70: {  	_ =	shalt  }
0x71: {  	_ =	shalt  }
0x72: {  	_ =	shalt  }
0x73: {  	_ =	shalt  }
0x74: {  	_ =	shalt  }
0x75: {  	_ =	shalt  }
0x76: {  	_ =	shalt  }
0x77: {  	_ =	shalt  }
0x78: {  	_ =	shalt  }
0x79: {  	_ =	shalt  }
0x7a: {  	_ =	shalt  }
0x7b: {  	_ =	shalt  }
0x7c: {  	_ =	shalt  }
0x7d: {  	_ =	shalt  }
0x7e: {  	_ =	shalt  }
0x7f: {  	_ =	shalt  }
0x80: {  	_ =	shalt  }
0x81: {  	_ =	shalt  }
0x82: {  	_ =	shalt  }
0x83: {  	_ =	shalt  }
0x84: {  	_ =	shalt  }
0x85: {  	_ =	shalt  }
0x86: {  	_ =	shalt  }
0x87: {  	_ =	shalt  }
.Lfunc_end0:
.L_simem_size_0:
called_computation.1_lowered:
.L_overlay_start_0:
0x88: {  	s2 =	sld [smem:$0x3FD9]  }
0x89: {  	s3 =	sld [smem:$0x3FFE];
	_ =	sdelay $0x1  }
0x8a: {  	s1 =	srdreg.scid  }
0x8b: {  	s0 =	sand.u32 $0x1, s1  }
0x8c: {  	s17 =	sshll.u32 s0, $0xA;
	s2 =	sadd.s32 s3, s2  }
0x8d: {  	s2 =	sadd.s32 s2, s17  }
0x8e: {  	[smem:$0x3FC3] =	sst s2  }
0x8f: {  	_ = 	snop  }
0x90: {  	s2 =	sld [smem:$0x3FD0];
	(tm) =	ssettm $0x1  }
0x91: {  	s18 =	sld [smem:$0x3FFB];
	_ =	sdelay $0x3  }
0x92: {  	_ =	strace s18  }
0x93: {  	s3 =	sld [smem:$0x3FFC];
	_ =	sdelay $0x3  }
0x94: {  	_ =	strace s3  }
0x95: {  	s3 =	sld [smem:$0x3FFD];
	_ =	sdelay $0x3  }
0x96: {  	_ =	strace s3  }
0x97: {  	_ =	strace $0x8FFFFFFF  }
0x98: {  	s19 =	sld [smem:$0x3FDB];
	_ =	sdelay $0x1  }
0x99: {  	s4 =	simm.s32 $_scs_section_size  }
0x9a: {  	s5 =	simm.s32 $_size__tile_overlayer_lowered;
	s6 =	simm.s32 $_tile_overlayer_lowered  }
0x9b: {  	s22 =	simm.s32 $0x1BFF;
	s21 =	sshll.u32 s6, $0x1;
	s3 =	sadd.s32 s4, s19  }
0x9c: {  	s7 =	simm.s32 $0x0;
	s20 =	sshll.u32 s5, $0x1;
	s5 =	sadd.s32 s21, s3  }
0x9d: {  	[timem:s7], [sflag:s22] =	dma.local [hbm:s5], s20  }
0x9e: {  	_ =	swait.ge [sflag:s22], s20  }
0x9f: {  	s4 =	ssub.s32 $0x0, s20;
	[sflag:s22] =	ssyncset.done $0x0  }
0xa0: {  	[sflag:s22] =	ssyncadd.s32 s4;
	_ =	sdelay $0x1  }
0xa1: {  	s23 =	simm.s32 $0x1B8B  }
0xa2: {  	_ =	swait.ge [sflag:s23], $0x1  }
0xa3: {  	[sflag:s23] =	ssyncset.done $0x0  }
0xa4: {  	s25 =	simm.s32 $0x1B8E;
	s24 =	sld [smem:$0x3FFE];
	[sflag:s23] =	ssyncadd.s32 $0xFFFFFFFF  }
0xa5: {  	s26 =	simm.s32 $execute0_lowered;
	[smem:$0x3FD2] =	sst s25  }
0xa6: {  	s5 =	sshll.u32 s26, $0x1;
	_ =	strace $0x80000049;
	[dreg:$0x1] =	wrdreg $0xFFFFFFFF  }
0xa7: {  	s28 =	simm.s32 $_size_execute0_lowered;
	s3 =	sadd.s32 s3, s5;
	[dreg:$0x0] =	wrdreg $0x0  }
0xa8: {  	s5 =	sshll.u32 s28, $0x1;
	[dreg:$0x2] =	wrdreg s3  }
0xa9: {  	[dreg:$0x3] =	wrdreg s5  }
0xaa: {  	[dreg:$0x4] =	wrdreg $0xC0  }
0xab: {  	_ =	task [dreg:s7], $0x5FFFF  }
0xac: {  	[dreg:$0x1] =	wrdreg $0xFFFFFFFF  }
0xad: {  	[dreg:$0x0] =	wrdreg $0x60  }
0xae: {  	[dreg:$0x2] =	wrdreg s24  }
0xaf: {  	[dreg:$0x3] =	wrdreg s2  }
0xb0: {  	[dreg:$0x4] =	wrdreg $0xC4000  }
0xb1: {  	[dreg:$0x5] =	wrdreg $0x9  }
0xb2: {  	_ =	task.clear_ibuf [dreg:s7], $0x6FFFF;
	_ =	strace $0x90000049  }
0xb3: {  	s29 =	simm.s32 $0x9;
	_ =	strace $0x8000004B  }
0xb4: {  	_ =	swait.ge [sflag:s29], $0x1  }
0xb5: {  	[sflag:s29] =	ssyncadd.s32 $0xFFFFFFFF  }
0xb6: {  	_ =	strace $0x9000004B  }
0xb7: {  	_ =	sfence  }
0xb8: {  	s30 =	sld [smem:$0x0];
	_ =	sdelay $0x2  }
0xb9: {  	s31 =	sshll.u32 s1, $0xD;
	s1 =	sshrl.u32 s1, $0x2  }
0xba: {  	s3 =	sand.u32 $0x4000, s31;
	s1 =	sadd.s32 s1, s30  }
0xbb: {  	s0 =	sor.u32 s3, s0;
	s1 =	sshll.u32 s1, $0x11  }
0xbc: {  	s0 =	sor.u32 s1, s0  }
0xbd: {  	s0 =	sadd.s32 $0x8F2B, s0  }
0xbe: {  	[sflag:s0] =	ssyncadd.remote.s32 $0x1  }
0xbf: {  	_ =	sfence.sel $0xFFFF  }
0xc0: {  	[dreg:$0x0] =	wrdreg $0xFFFFFFFF;
	(pc) =	sbr.abs _section_cstart, $3  }
0xc1: {  	[dreg:$0x1] =	wrdreg $0xFFFFFFFF  }
0xc2: {  	_ =	task.clear_ibuf [dreg:s7], $0x2FFFF;
	_ =	strace $0x9FFFFFFF  }
0xc3: {  	(tm) =	ssettm $0x7FFFFFFF  }
tec
execute0_lowered:
.L_overlay_start_1:
0x0: {  	(tag) =	ssettag $0x1  }
0x1: {  	s0 =	rddreg [dreg:$0x0]  }
0x2: {  	s1 =	rddreg [dreg:$0x1]  }
0x3: {  	s2 =	rddreg [dreg:$0x2];
	s3 =	srdreg.scid  }
0x4: {  	s4 =	simm.s32 $0x0;
	s10 =	stileid.u32;
	s28 =	simm.s32 $0x180  }
0x5: {  	s29 =	simm.s32 $0x200;
	s30 =	simm.s32 $0x1;
	s31 =	simm.s32 $0x2  }
0x6: {  	s3 =	sand.u32 $0x1, s3;
	[smem:$0x7FF] =	sst s4;
	s7 =	smul.u32 $0x13C00, s10  }
0x7: {  	s5 =	sadd.s32 $0x5BA00, s0;
	s8 =	smul.u32 $0x4F000, s10;
	s25 =	sshll.u32 s10, $0x1  }
0x8: {  	s6 =	smul.u32 $0x140000, s3;
	_ =	strace $0x8000004A;
	s26 =	ssub.s32 $0x2, s3  }
0x9: {  	s3 =	sor.u32 s3, s25;
	s8 =	sshrl.u32 s8, $0x2;
	s11 =	sshrl.u32 s26, $0x1  }
0xa: {  	s7 =	sadd.s32 s7, s6;
	s6 =	sadd.s32 $0x1C00, s0;
	s8 =	sadd.s32 s8, s2  }
0xb: {  	s12 =	ssub.s32 s26, s11;
	s11 =	simm.s32 $0x5;
	s13 =	sadd.s32 $0x4000, s8  }
0xc: {  	s9 =	sshrl.u32 s7, $0x3;
	s14 =	sadd.s32 $0x8000, s8;
	[dreg:$0x4] =	wrdreg s13  }
0xd: {  	s7 =	smul.u32 $0x2710, s3;
	s15 =	sadd.s32 $0xC000, s8;
	[dreg:$0x5] =	wrdreg s14  }
0xe: {  	s17 =	sadd.s32 $0x10000, s8;
	s26 =	smax.u32 s12, $0x1;
	[dreg:$0x6] =	wrdreg s15  }
0xf: {  	s3 =	simm.s32 $0x3;
	s12 =	simm.s32 $0x6;
	[dreg:$0x7] =	wrdreg s17  }
0x10: {  	s0 =	sadd.s32 s9, s0;
	[dreg:$0x11] =	wrdreg s26;
	s26 =	simm.s32 $0x100  }
0x11: {  	s13 =	simm.s32 $0x280;
	s16 =	sshrl.u32 s7, $0x3;
	s0 =	sadd.s32 $0x83A00, s0  }
0x12: {  	s14 =	simm.s32 $0x300;
	s18 =	sadd.s32 s1, s16;
	[dreg:$0x10] =	wrdreg s0  }
0x13: {  	s19 =	sadd.s32 $0x10, s16;
	s20 =	sadd.s32 s6, s16;
	[dreg:$0x8] =	wrdreg s18  }
0x14: {  	s15 =	simm.s32 $0x380;
	[dreg:$0x9] =	wrdreg s20;
	s21 =	sadd.s32 s1, s19  }
0x15: {  	s22 =	sadd.s32 $0x20, s16;
	s10 =	sadd.s32 s6, s19;
	[dreg:$0xa] =	wrdreg s21  }
0x16: {  	s17 =	simm.s32 $0x0;
	s23 =	sadd.s32 s1, s22;
	[dreg:$0xb] =	wrdreg s10  }
0x17: {  	s9 =	sadd.s32 $0x4E0, s16;
	s24 =	sadd.s32 s6, s22;
	[dreg:$0xc] =	wrdreg s23  }
0x18: {  	s0 =	simm.s32 $0x4400;
	s25 =	sadd.s32 s1, s9;
	[dreg:$0xd] =	wrdreg s24  }
0x19: {  	s16 =	simm.s32 $0x10;
	s9 =	sadd.s32 s6, s9;
	[dreg:$0xe] =	wrdreg s25  }
0x1a: {  	[dreg:$0xf] =	wrdreg s9;
	s23 =	simm.s32 $0x400;
	s24 =	simm.s32 $0x7  }
0x1b: {  	v0 =	vimm.f32 $0.0e+00;
	s25 =	simm.s32 $0x80;
	s9 =	simm.s32 $0x8400;
	s10 =	simm.s32 $0x4  }
.LBB2_1:
0x1c: {  	s18 =	sand.u32 $0xFE00, s4  }
0x1d: {  	s19 =	sand.u32 $0x70, s4;
	s20 =	sshrl.u32 s18, $0x2  }
0x1e: {  	s18 =	simm.s32 $0x40;
	s20 =	sor.u32 s19, s20;
	s19 =	simm.s32 $0x0  }
.LBB2_2:
0x1f: {  	p0 =	sne.s32 s18, $0xFFC0  }
0x20: {  	[tilespmem:s20+$0x400] =	vst v0;
	s19 =	sadd.s32 $0x10, s19;
	s20 =	smov.u32 s18;
	s18 =	sadd.s32 $0x40, s18  }
.Ltmp0:
0x21: {  	(pc) =	sbr.rel @p0 .LBB2_2-.Ltmp0, $4  }
0x22: {  	_ = 	snop  }
0x23: {  	s20 =	sand.u32 $0xFE00, s20  }
0x24: {  	s21 =	sand.u32 $0x70, s19;
	s20 =	sshrl.u32 s20, $0x2  }
0x25: {  	s20 =	sor.u32 s21, s20  }
0x26: {  	[tilespmem:s20+$0x400] =	vst v0  }
0x27: {  	[spmem:s8] =	stream.linear.scatter [tilespmem:s23], [sflag:$0x7], $0x4000, $0x38;
	v63 =	vld [tilespmem:$0x0]  }
0x28: {  	_ =	swait.ge [sflag:s24], $0x4000  }
0x29: {  	[sflag:s24] =	ssyncset.done $0x0  }
0x2a: {  	s18 =	rddreg [dreg:$0x4];
	[sflag:s24] =	ssyncadd.s32 $0xFFFFC000  }
0x2b: {  	[spmem:s18] =	stream.linear.scatter [tilespmem:s23], [sflag:$0x7], $0x4000, $0x38;
	v63 =	vld [tilespmem:$0x0]  }
0x2c: {  	_ =	swait.ge [sflag:s24], $0x4000  }
0x2d: {  	[sflag:s24] =	ssyncset.done $0x0  }
0x2e: {  	s21 =	rddreg [dreg:$0x5];
	[sflag:s24] =	ssyncadd.s32 $0xFFFFC000  }
0x2f: {  	[spmem:s21] =	stream.linear.scatter [tilespmem:s23], [sflag:$0x7], $0x4000, $0x38;
	v63 =	vld [tilespmem:$0x0]  }
0x30: {  	_ =	swait.ge [sflag:s24], $0x4000  }
0x31: {  	[sflag:s24] =	ssyncset.done $0x0  }
0x32: {  	s22 =	rddreg [dreg:$0x6];
	[sflag:s24] =	ssyncadd.s32 $0xFFFFC000  }
0x33: {  	[spmem:s22] =	stream.linear.scatter [tilespmem:s23], [sflag:$0x7], $0x4000, $0x38;
	v63 =	vld [tilespmem:$0x0]  }
0x34: {  	_ =	swait.ge [sflag:s24], $0x4000  }
0x35: {  	[sflag:s24] =	ssyncset.done $0x0  }
0x36: {  	s19 =	rddreg [dreg:$0x7];
	[sflag:s24] =	ssyncadd.s32 $0xFFFFC000  }
0x37: {  	[spmem:s19] =	stream.linear.scatter [tilespmem:s23], [sflag:$0x7], $0x3C00, $0x38;
	v63 =	vld [tilespmem:$0x0]  }
0x38: {  	_ =	swait.ge [sflag:s24], $0x3C00  }
0x39: {  	[sflag:s24] =	ssyncset.done $0x0  }
0x3a: {  	[sflag:s24] =	ssyncadd.s32 $0xFFFFC400  }
0x3b: {  	[bflag:$0x0] =	sbarrier.arrive $0xFFFF  }
0x3c: {  	s20 =	rddreg [dreg:$0x8]  }
0x3d: {  	[tilespmem:s4], [sflag:$0x1] =	stream.linear.gather [hbm4b:s20+s4], $0x80, $0x38;
	v63 =	vld [tilespmem:$0x0]  }
0x3e: {  	s21 =	rddreg [dreg:$0x9]  }
0x3f: {  	[tilespmem:s25], [sflag:$0x1] =	stream.linear.gather [hbm4b:s21+s4], $0x80, $0x38;
	v63 =	vld [tilespmem:$0x0]  }
0x40: {  	s22 =	rddreg [dreg:$0xa]  }
0x41: {  	[tilespmem:s26], [sflag:$0x2] =	stream.linear.gather [hbm4b:s22+s4], $0x80, $0x38;
	v63 =	vld [tilespmem:$0x0]  }
0x42: {  	s19 =	rddreg [dreg:$0xb]  }
0x43: {  	[tilespmem:s28], [sflag:$0x2] =	stream.linear.gather [hbm4b:s19+s4], $0x80, $0x38;
	v63 =	vld [tilespmem:$0x0]  }
0x44: {  	s20 =	rddreg [dreg:$0xc]  }
0x45: {  	[tilespmem:s29], [sflag:$0x3] =	stream.linear.gather [hbm4b:s20+s4], $0x80, $0x38;
	v63 =	vld [tilespmem:$0x0]  }
0x46: {  	s18 =	simm.s32 $0x280;
	s19 =	rddreg [dreg:$0xd]  }
0x47: {  	[tilespmem:s18], [sflag:$0x3] =	stream.linear.gather [hbm4b:s19+s4], $0x80, $0x38;
	v63 =	vld [tilespmem:$0x0]  }
0x48: {  	_ =	swait.ge [sflag:s30], $0x80  }
0x49: {  	[sflag:s30] =	ssyncset.done $0x0  }
0x4a: {  	[sflag:s30] =	ssyncadd.s32 $0xFFFFFF80  }
0x4b: {  	_ =	swait.ge [sflag:s30], $0x80  }
0x4c: {  	[sflag:s30] =	ssyncset.done $0x0  }
0x4d: {  	[sflag:s30] =	ssyncadd.s32 $0xFFFFFF80  }
0x4e: {  	[tilespmem:s23], [sflag:$0x4] =	stream.indirect.gather [hbm4b:s5+s25], $0x80, s4, s25, $0xb8;
	v63 =	vld [tilespmem:$0x0]  }
0x4f: {  	_ =	swait.ge [sflag:s31], $0x80  }
0x50: {  	[sflag:s31] =	ssyncset.done $0x0  }
0x51: {  	[sflag:s31] =	ssyncadd.s32 $0xFFFFFF80  }
0x52: {  	_ =	swait.ge [sflag:s31], $0x80  }
0x53: {  	[sflag:s31] =	ssyncset.done $0x0  }
0x54: {  	[sflag:s31] =	ssyncadd.s32 $0xFFFFFF80  }
0x55: {  	[tilespmem:s0], [sflag:$0x5] =	stream.indirect.gather [hbm4b:s5+s25], $0x80, s26, s25, $0xb8;
	v63 =	vld [tilespmem:$0x0]  }
0x56: {  	_ =	swait.ge [sflag:s3], $0x80  }
0x57: {  	[sflag:s3] =	ssyncset.done $0x0  }
0x58: {  	[sflag:s3] =	ssyncadd.s32 $0xFFFFFF80  }
0x59: {  	_ =	swait.ge [sflag:s3], $0x80  }
0x5a: {  	[sflag:s3] =	ssyncset.done $0x0  }
0x5b: {  	[sflag:s3] =	ssyncadd.s32 $0xFFFFFF80  }
0x5c: {  	[tilespmem:s9], [sflag:$0x6] =	stream.indirect.gather [hbm4b:s5+s25], $0x80, s29, s25, $0xb8;
	v63 =	vld [tilespmem:$0x0]  }
0x5d: {  	_ =	swait.ge [sflag:s10], $0x4000  }
0x5e: {  	p0 =	por $0x0, $0x0;
	s19 =	simm.s32 $0x180;
	[sflag:s10] =	ssyncset.done $0x0  }
0x5f: {  	s19 =	simm.s32 @p0 $0x0;
	[sflag:s10] =	ssyncadd.s32 $0xFFFFC000  }
0x60: {  	[spmem:s2] =	stream.indirect.scatter.add.f32 [tilespmem:s23], [sflag:$0x7], $0x80, s25, s25, $0xb8;
	v63 =	vld [tilespmem:$0x0]  }
0x61: {  	s19 =	sadd.s32 s7, s19;
	_ =	swait.ge [sflag:s24], $0x4000  }
0x62: {  	s19 =	sshrl.u32 s19, $0x3;
	[sflag:s24] =	ssyncset.done $0x0  }
0x63: {  	s21 =	sadd.s32 s1, s19;
	[sflag:s24] =	ssyncadd.s32 $0xFFFFC000  }
0x64: {  	[tilespmem:s4], [sflag:$0x1] =	stream.linear.gather [hbm4b:s21+s4], $0x80, $0x38;
	v63 =	vld [tilespmem:$0x0]  }
0x65: {  	s19 =	sadd.s32 s6, s19  }
0x66: {  	[tilespmem:s25], [sflag:$0x1] =	stream.linear.gather [hbm4b:s19+s4], $0x80, $0x38;
	v63 =	vld [tilespmem:$0x0]  }
0x67: {  	_ =	swait.ge [sflag:s30], $0x80  }
0x68: {  	[sflag:s30] =	ssyncset.done $0x0  }
0x69: {  	[sflag:s30] =	ssyncadd.s32 $0xFFFFFF80  }
0x6a: {  	_ =	swait.ge [sflag:s30], $0x80  }
0x6b: {  	[sflag:s30] =	ssyncset.done $0x0  }
0x6c: {  	[sflag:s30] =	ssyncadd.s32 $0xFFFFFF80  }
0x6d: {  	[tilespmem:s23], [sflag:$0x4] =	stream.indirect.gather [hbm4b:s5+s25], $0x80, s4, s25, $0xb8;
	v63 =	vld [tilespmem:$0x0]  }
0x6e: {  	_ =	swait.ge [sflag:s11], $0x4000  }
0x6f: {  	s19 =	simm.s32 $0x200;
	[sflag:s11] =	ssyncset.done $0x0  }
0x70: {  	s19 =	simm.s32 @p0 $0x0;
	[sflag:s11] =	ssyncadd.s32 $0xFFFFC000  }
0x71: {  	[spmem:s2] =	stream.indirect.scatter.add.f32 [tilespmem:s0], [sflag:$0x7], $0x80, s28, s25, $0xb8;
	v63 =	vld [tilespmem:$0x0]  }
0x72: {  	s19 =	sadd.s32 s7, s19;
	_ =	swait.ge [sflag:s24], $0x4000  }
0x73: {  	s19 =	sshrl.u32 s19, $0x3;
	[sflag:s24] =	ssyncset.done $0x0  }
0x74: {  	s22 =	sadd.s32 s1, s19;
	[sflag:s24] =	ssyncadd.s32 $0xFFFFC000  }
0x75: {  	[tilespmem:s26], [sflag:$0x2] =	stream.linear.gather [hbm4b:s22+s4], $0x80, $0x38;
	v63 =	vld [tilespmem:$0x0]  }
0x76: {  	s19 =	sadd.s32 s6, s19  }
0x77: {  	[tilespmem:s28], [sflag:$0x2] =	stream.linear.gather [hbm4b:s19+s4], $0x80, $0x38;
	v63 =	vld [tilespmem:$0x0]  }
0x78: {  	_ =	swait.ge [sflag:s31], $0x80  }
0x79: {  	[sflag:s31] =	ssyncset.done $0x0  }
0x7a: {  	[sflag:s31] =	ssyncadd.s32 $0xFFFFFF80  }
0x7b: {  	_ =	swait.ge [sflag:s31], $0x80  }
0x7c: {  	[sflag:s31] =	ssyncset.done $0x0  }
0x7d: {  	s18 =	simm.s32 @p0 $0x0;
	[sflag:s31] =	ssyncadd.s32 $0xFFFFFF80  }
0x7e: {  	[tilespmem:s0], [sflag:$0x5] =	stream.indirect.gather [hbm4b:s5+s25], $0x80, s26, s25, $0xb8;
	v63 =	vld [tilespmem:$0x0]  }
0x7f: {  	s18 =	sadd.s32 s7, s18;
	_ =	swait.ge [sflag:s12], $0x4000  }
0x80: {  	s19 =	sshrl.u32 s18, $0x3;
	[sflag:s12] =	ssyncset.done $0x0  }
0x81: {  	s18 =	simm.s32 $0x400;
	s21 =	sadd.s32 s1, s19;
	[sflag:s12] =	ssyncadd.s32 $0xFFFFC000  }
.LBB2_4:
0x82: {  	[spmem:s2] =	stream.indirect.scatter.add.f32 [tilespmem:s9], [sflag:$0x7], $0x80, s13, s25, $0xb8;
	v63 =	vld [tilespmem:$0x0]  }
0x83: {  	s20 =	smov.u32 s18  }
0x84: {  	p0 =	sne.s32 s18, $0x2800;
	s18 =	sadd.s32 $0x180, s18;
	_ =	swait.ge [sflag:s24], $0x4000  }
0x85: {  	[sflag:s24] =	ssyncset.done $0x0  }
0x86: {  	[sflag:s24] =	ssyncadd.s32 $0xFFFFC000  }
0x87: {  	[tilespmem:s29], [sflag:$0x3] =	stream.linear.gather [hbm4b:s21+s4], $0x80, $0x38;
	v63 =	vld [tilespmem:$0x0]  }
0x88: {  	s19 =	sadd.s32 s6, s19  }
0x89: {  	[tilespmem:s13], [sflag:$0x3] =	stream.linear.gather [hbm4b:s19+s4], $0x80, $0x38;
	v63 =	vld [tilespmem:$0x0]  }
0x8a: {  	_ =	swait.ge [sflag:s3], $0x80  }
0x8b: {  	[sflag:s3] =	ssyncset.done $0x0  }
0x8c: {  	[sflag:s3] =	ssyncadd.s32 $0xFFFFFF80  }
0x8d: {  	_ =	swait.ge [sflag:s3], $0x80  }
0x8e: {  	p1 =	seq.s32 s20, $0x2800;
	[sflag:s3] =	ssyncset.done $0x0  }
0x8f: {  	s21 =	smov.u32 s20;
	s19 =	sadd.s32 $0xFFFFFF00, s20;
	[sflag:s3] =	ssyncadd.s32 $0xFFFFFF80  }
0x90: {  	s21 =	simm.s32 @p1 $0x0;
	s19 =	simm.s32 @p1 $0x0  }
0x91: {  	[tilespmem:s9], [sflag:$0x6] =	stream.indirect.gather [hbm4b:s5+s25], $0x80, s29, s25, $0xb8;
	v63 =	vld [tilespmem:$0x0]  }
0x92: {  	s22 =	sadd.s32 s7, s19;
	s19 =	sadd.s32 s7, s21;
	_ =	swait.ge [sflag:s10], $0x4000  }
0x93: {  	s21 =	sshrl.u32 s22, $0x3;
	[sflag:s10] =	ssyncset.done $0x0  }
0x94: {  	s22 =	sadd.s32 s1, s21;
	[sflag:s10] =	ssyncadd.s32 $0xFFFFC000  }
0x95: {  	[spmem:s2] =	stream.indirect.scatter.add.f32 [tilespmem:s23], [sflag:$0x7], $0x80, s25, s25, $0xb8;
	v63 =	vld [tilespmem:$0x0]  }
0x96: {  	s21 =	sadd.s32 s6, s21;
	_ =	swait.ge [sflag:s24], $0x4000  }
0x97: {  	[sflag:s24] =	ssyncset.done $0x0  }
0x98: {  	[sflag:s24] =	ssyncadd.s32 $0xFFFFC000  }
0x99: {  	[tilespmem:s4], [sflag:$0x1] =	stream.linear.gather [hbm4b:s22+s4], $0x80, $0x38;
	v63 =	vld [tilespmem:$0x0]  }
0x9a: {  	_ = 	snop  }
0x9b: {  	[tilespmem:s25], [sflag:$0x1] =	stream.linear.gather [hbm4b:s21+s4], $0x80, $0x38;
	v63 =	vld [tilespmem:$0x0]  }
0x9c: {  	_ =	swait.ge [sflag:s30], $0x80  }
0x9d: {  	[sflag:s30] =	ssyncset.done $0x0  }
0x9e: {  	s20 =	sadd.s32 $0xFFFFFF80, s20;
	[sflag:s30] =	ssyncadd.s32 $0xFFFFFF80  }
0x9f: {  	s20 =	simm.s32 @p1 $0x0;
	_ =	swait.ge [sflag:s30], $0x80  }
0xa0: {  	s20 =	sadd.s32 s7, s20;
	[sflag:s30] =	ssyncset.done $0x0  }
0xa1: {  	s20 =	sshrl.u32 s20, $0x3;
	[sflag:s30] =	ssyncadd.s32 $0xFFFFFF80  }
0xa2: {  	[tilespmem:s23], [sflag:$0x4] =	stream.indirect.gather [hbm4b:s5+s25], $0x80, s4, s25, $0xb8;
	v63 =	vld [tilespmem:$0x0]  }
0xa3: {  	s21 =	sadd.s32 s1, s20;
	_ =	swait.ge [sflag:s11], $0x4000  }
0xa4: {  	[sflag:s11] =	ssyncset.done $0x0  }
0xa5: {  	s20 =	sadd.s32 s6, s20;
	[sflag:s11] =	ssyncadd.s32 $0xFFFFC000  }
0xa6: {  	[spmem:s2] =	stream.indirect.scatter.add.f32 [tilespmem:s0], [sflag:$0x7], $0x80, s28, s25, $0xb8;
	v63 =	vld [tilespmem:$0x0]  }
0xa7: {  	_ =	swait.ge [sflag:s24], $0x4000  }
0xa8: {  	[sflag:s24] =	ssyncset.done $0x0  }
0xa9: {  	[sflag:s24] =	ssyncadd.s32 $0xFFFFC000  }
0xaa: {  	[tilespmem:s26], [sflag:$0x2] =	stream.linear.gather [hbm4b:s21+s4], $0x80, $0x38;
	v63 =	vld [tilespmem:$0x0]  }
0xab: {  	_ = 	snop  }
0xac: {  	[tilespmem:s28], [sflag:$0x2] =	stream.linear.gather [hbm4b:s20+s4], $0x80, $0x38;
	v63 =	vld [tilespmem:$0x0]  }
0xad: {  	_ =	swait.ge [sflag:s31], $0x80  }
0xae: {  	[sflag:s31] =	ssyncset.done $0x0  }
0xaf: {  	[sflag:s31] =	ssyncadd.s32 $0xFFFFFF80  }
0xb0: {  	_ =	swait.ge [sflag:s31], $0x80  }
0xb1: {  	[sflag:s31] =	ssyncset.done $0x0  }
.Ltmp1:
0xb2: {  	[sflag:s31] =	ssyncadd.s32 $0xFFFFFF80;
	(pc) =	sbr.rel @p0 .LBB2_4-.Ltmp1, $4  }
0xb3: {  	[tilespmem:s0], [sflag:$0x5] =	stream.indirect.gather [hbm4b:s5+s25], $0x80, s26, s25, $0xb8;
	v63 =	vld [tilespmem:$0x0]  }
0xb4: {  	s19 =	sshrl.u32 s19, $0x3;
	_ =	swait.ge [sflag:s12], $0x4000  }
0xb5: {  	s21 =	sadd.s32 s1, s19;
	[sflag:s12] =	ssyncset.done $0x0  }
0xb6: {  	[sflag:s12] =	ssyncadd.s32 $0xFFFFC000  }
0xb7: {  	[spmem:s2] =	stream.indirect.scatter.add.f32 [tilespmem:s9], [sflag:$0x7], $0x80, s13, s25, $0xb8;
	v63 =	vld [tilespmem:$0x0]  }
0xb8: {  	_ =	swait.ge [sflag:s24], $0x4000  }
0xb9: {  	[sflag:s24] =	ssyncset.done $0x0  }
0xba: {  	[sflag:s24] =	ssyncadd.s32 $0xFFFFC000  }
0xbb: {  	[tilespmem:s29], [sflag:$0x3] =	stream.linear.gather [hbm4b:s21+s4], $0x80, $0x38;
	v63 =	vld [tilespmem:$0x0]  }
0xbc: {  	s18 =	sadd.s32 s6, s19  }
0xbd: {  	[tilespmem:s13], [sflag:$0x3] =	stream.linear.gather [hbm4b:s18+s4], $0x80, $0x38;
	v63 =	vld [tilespmem:$0x0]  }
0xbe: {  	_ =	swait.ge [sflag:s10], $0x4000  }
0xbf: {  	[sflag:s10] =	ssyncset.done $0x0  }
0xc0: {  	[sflag:s10] =	ssyncadd.s32 $0xFFFFC000  }
0xc1: {  	_ =	swait.ge [sflag:s11], $0x4000  }
0xc2: {  	[sflag:s11] =	ssyncset.done $0x0  }
0xc3: {  	[sflag:s11] =	ssyncadd.s32 $0xFFFFC000  }
0xc4: {  	_ =	swait.ge [sflag:s3], $0x80  }
0xc5: {  	[sflag:s3] =	ssyncset.done $0x0  }
0xc6: {  	[sflag:s3] =	ssyncadd.s32 $0xFFFFFF80  }
0xc7: {  	_ =	swait.ge [sflag:s3], $0x80  }
0xc8: {  	[sflag:s3] =	ssyncset.done $0x0  }
0xc9: {  	s22 =	rddreg [dreg:$0xe];
	[sflag:s3] =	ssyncadd.s32 $0xFFFFFF80  }
0xca: {  	[tilespmem:s14], [sflag:$0x7] =	stream.linear.gather [hbm4b:s22+s4], $0x10, $0x38;
	v63 =	vld [tilespmem:$0x0]  }
0xcb: {  	_ =	swait.ge [sflag:s24], $0x10  }
0xcc: {  	[sflag:s24] =	ssyncset.done $0x0  }
0xcd: {  	s19 =	rddreg [dreg:$0xf];
	[sflag:s24] =	ssyncadd.s32 $0xFFFFFFF0  }
0xce: {  	[tilespmem:s15], [sflag:$0x7] =	stream.linear.gather [hbm4b:s19+s4], $0x10, $0x38;
	v63 =	vld [tilespmem:$0x0]  }
0xcf: {  	_ =	swait.ge [sflag:s24], $0x10  }
0xd0: {  	[sflag:s24] =	ssyncset.done $0x0  }
0xd1: {  	[sflag:s24] =	ssyncadd.s32 $0xFFFFFFF0  }
0xd2: {  	[tilespmem:s23], [sflag:$0x4] =	stream.indirect.gather [hbm4b:s5+s16], $0x80, s14, s16, $0xb8;
	v63 =	vld [tilespmem:$0x0]  }
0xd3: {  	_ =	swait.ge [sflag:s10], $0x800  }
0xd4: {  	[sflag:s10] =	ssyncset.done $0x0  }
0xd5: {  	[sflag:s10] =	ssyncadd.s32 $0xFFFFF800  }
0xd6: {  	[spmem:s2] =	stream.indirect.scatter.add.f32 [tilespmem:s23], [sflag:$0x7], $0x80, s15, s16, $0xb8;
	v63 =	vld [tilespmem:$0x0]  }
0xd7: {  	_ =	swait.ge [sflag:s24], $0x800  }
0xd8: {  	[sflag:s24] =	ssyncset.done $0x0  }
0xd9: {  	s20 =	stileid.u32;
	[sflag:s24] =	ssyncadd.s32 $0xFFFFF800  }
0xda: {  	s18 =	sshll.u32 s20, $0x6;
	[bflag:$0x0] =	sbarrier.arrive $0xFFFF  }
0xdb: {  	s21 =	sshrl.u32 s8, $0x3;
	s18 =	sor.u32 $0x1C07, s18;
	s20 =	rddreg [dreg:$0x10]  }
0xdc: {  	[hbm:s20], [sflag:s18] =	dma.local [spmem:s21], $0x2780  }
0xdd: {  	_ =	swait.ge [sflag:s24], $0x2780  }
0xde: {  	s17 =	sadd.s32 $0x1, s17;
	s22 =	rddreg [dreg:$0x11]  }
0xdf: {  	p0 =	sne.s32 s17, s22  }
.Ltmp2:
0xe0: {  	_ = 	snop;
	(pc) =	sbr.rel @p0 .LBB2_1-.Ltmp2, $3  }
0xe1: {  	_ =	sdelay $0x1  }
0xe2: {  	[sflag:s24] =	ssyncset.done $0x0  }
0xe3: {  	[sflag:s24] =	ssyncadd.s32 $0xFFFFD880  }
0xe4: {  	_ =	sfence.sel $0x180000  }
0xe5: {  	[bflag:$0x0] =	sbarrier.arrive $0xFFFF  }
0xe6: {  	_ =	strace $0x9000004A  }
0xe7: {  	s0 =	stileid.u32;
	[bflag:$0x2] =	sbarrier.arrive $0xFFFF  }
0xe8: {  	p0 =	sne.s32 s0, $0x0;
	s0 =	rddreg [dreg:$0x3]  }
0xe9: {  	s0 =	sadd.s32 @!p0 $0x100000, s0  }
0xea: {  	[sflag:s0] =	ssyncadd.tile.s32 @!p0 $0x1;
	_ =	shalt  }
.Lfunc_end2:
_tile_overlayer_lowered:
.L_overlay_start_2:
0xeb: {  	(tag) =	ssettag $0x2  }
0xec: {  	s0 =	rddreg [dreg:$0x0];
	s2 =	stileid.u32  }
0xed: {  	s1 =	rddreg [dreg:$0x1];
	p0 =	sne.s32 s2, $0x0  }
0xee: {  	s3 =	rddreg [dreg:$0x2];
	[bflag:$0x3] =	sbarrier.arrive $0xFFFF;
	s2 =	simm.s32 @!p0 $0x1C07  }
0xef: {  	[timem:s3], [sflag:s2] =	dma.local @!p0 [hbm:s0], s1  }
0xf0: {  	s0 =	simm.s32 @!p0 $0x7  }
0xf1: {  	_ =	swait.ge @!p0 [sflag:s0], s1  }
0xf2: {  	s1 =	ssub.s32 @!p0 $0x0, s1;
	[sflag:s0] =	ssyncset.done @!p0 $0x0  }
0xf3: {  	[sflag:s0] =	ssyncadd.s32 @!p0 s1  }
0xf4: {  	[bflag:$0x3] =	sbarrier.arrive $0xFFFF  }
0xf5: {  	_ =	shalt  }

</sc_bundles>
